<compile_context>
chip_gen: v7x
topology: tpu7x:2x2x1
jax: 0.10.2.dev20260603
libtpu: 0.0.44.dev20260713+nightly
codegen_flags: <defaults>
</compile_context>

<pallas_src>
import jax
import jax.numpy as jnp
from jax import lax
from jax.experimental import pallas as pl
from jax.experimental.pallas import tpu as pltpu
from jax.experimental.pallas import tpu_sc as plsc

VOCAB = 1000000
EMB_DIM = 32
BATCH = 16384
FIELDS = 26

NC = 2
NS = 16
L = 16
NW = NC * NS

TOTAL = BATCH * FIELDS
PER_W = TOTAL // NW
CHUNK = 128
NCHUNK = PER_W // CHUNK
NBUF = 4


def _body(qw_hbm, idx_hbm, out_hbm, idx_v,
          rows0, rows1, rows2, rows3,
          gs0, gs1, gs2, gs3, ss0, ss1, ss2, ss3):
    wid = lax.axis_index("s") * NC + lax.axis_index("c")

    pltpu.sync_copy(idx_hbm.at[wid], idx_v)

    rows = (rows0, rows1, rows2, rows3)
    gsem = (gs0, gs1, gs2, gs3)
    ssem = (ss0, ss1, ss2, ss3)

    rbase = wid * PER_W

    def fire(c, b):
        pltpu.async_copy(qw_hbm.at[idx_v.at[c]], rows[b], gsem[b])

    def gwait(c, b):
        pltpu.make_async_copy(qw_hbm.at[idx_v.at[c]], rows[b], gsem[b]).wait()

    def sfire(c, b):
        pltpu.async_copy(rows[b],
                         out_hbm.at[pl.ds(rbase + c * CHUNK, CHUNK)], ssem[b])

    def swait(c, b):
        pltpu.make_async_copy(rows[b],
                              out_hbm.at[pl.ds(rbase + c * CHUNK, CHUNK)],
                              ssem[b]).wait()

    for b in range(NBUF):
        fire(b, b)

    def rot_body(q, carry):
        for b in range(NBUF):
            c = NBUF * q + b
            gwait(c, b)
            sfire(c, b)

            @pl.when(c + NBUF < NCHUNK)
            def _():
                swait(c, b)
                fire(c + NBUF, b)
        return carry

    lax.fori_loop(0, NCHUNK // NBUF, rot_body, 0)

    for b in range(NBUF):
        c = NCHUNK - NBUF + b
        swait(c, b)


def _dequant_body(g_ref, sb_ref, o_ref):
    v = g_ref[...].astype(jnp.float32)
    y = (v - sb_ref[1]) * sb_ref[0]
    for f in range(FIELDS):
        o_ref[f] = y[:, f * EMB_DIM:(f + 1) * EMB_DIM].T


@jax.jit
def kernel(x, qweight, scale, bias):
    idx = x.reshape(-1).astype(jnp.int32).reshape(NW, NCHUNK, CHUNK)

    mesh = plsc.VectorSubcoreMesh(core_axis_name="c", subcore_axis_name="s",
                                  num_cores=NC, num_subcores=NS)
    g = pl.kernel(
        _body,
        out_type=jax.ShapeDtypeStruct((TOTAL, EMB_DIM), jnp.int8),
        mesh=mesh,
        compiler_params=pltpu.CompilerParams(needs_layout_passes=False,
                                             use_tc_tiling_on_sc=False),
        scratch_types=[
            pltpu.VMEM((NCHUNK, CHUNK), jnp.int32),
            pltpu.VMEM((CHUNK, EMB_DIM), jnp.int8),
            pltpu.VMEM((CHUNK, EMB_DIM), jnp.int8),
            pltpu.VMEM((CHUNK, EMB_DIM), jnp.int8),
            pltpu.VMEM((CHUNK, EMB_DIM), jnp.int8),
            pltpu.SemaphoreType.DMA,
            pltpu.SemaphoreType.DMA,
            pltpu.SemaphoreType.DMA,
            pltpu.SemaphoreType.DMA,
            pltpu.SemaphoreType.DMA,
            pltpu.SemaphoreType.DMA,
            pltpu.SemaphoreType.DMA,
            pltpu.SemaphoreType.DMA,
        ],
    )(qweight, idx)

    g2 = g.reshape(BATCH, FIELDS * EMB_DIM)
    sb = jnp.stack([scale, bias.astype(jnp.float32)])
    BB = 512
    out_t = pl.pallas_call(
        _dequant_body,
        grid=(BATCH // BB,),
        in_specs=[
            pl.BlockSpec((BB, FIELDS * EMB_DIM), lambda j: (j, 0)),
            pl.BlockSpec(memory_space=pltpu.SMEM),
        ],
        out_specs=pl.BlockSpec((FIELDS, EMB_DIM, BB), lambda j: (0, 0, j)),
        out_shape=jax.ShapeDtypeStruct((FIELDS, EMB_DIM, BATCH), jnp.float32),
    )(g2, sb)
    return out_t.transpose(2, 0, 1)

# --- scband reference (transcript-rebuilt; emitter-appended) ---
"""Pipeline reference for scband-ptqemb-int-84241488543759 (READ-ONLY COPY).

The authoritative reference and input builder live on the scoring server;
editing this copy changes nothing except your own understanding.
"""

import jax, jax.numpy as jnp
import numpy as np

VOCAB = 1000000
EMB_DIM = 32
BATCH = 16384
FIELDS = 26
N_BITS = 8


def setup_inputs(seed: int = 0) -> dict:
    key = jax.random.key(seed)
    k1, k2 = jax.random.split(key)
    # Original float embedding table (the 'weight' passed to __init__)
    emb = jax.random.normal(k1, (VOCAB, EMB_DIM), dtype=jnp.float32)
    q_min = -1 * (1 << (N_BITS - 1))   # -128
    q_max = (1 << (N_BITS - 1)) - 1    # 127
    r_min = emb.min()
    scale = (emb.max() - r_min) / (q_max - q_min)  # scalar float32
    bias = (q_min - r_min / scale).astype(jnp.int8)
    qweight = jnp.round(emb / scale + bias.astype(jnp.float32)).astype(jnp.int8)
    x = jax.random.randint(k2, (BATCH, FIELDS), 0, VOCAB, dtype=jnp.int64)
    return {"x": x, "qweight": qweight, "scale": scale, "bias": bias}


def reference(x, qweight, scale, bias):
    # F.embedding(x, self.weight) -> gather rows of the int8 table
    res = jnp.take(qweight, x, axis=0).astype(jnp.float32)  # [B, F, D]
    # dequantize: (res - bias) * scale
    out = (res - bias.astype(jnp.float32)) * scale
    return out

if __name__ == "__main__":
    import jax
    _d = setup_inputs()
    print(jax.jit(kernel)(*tuple(_d.values())))

</pallas_src>

<mosaic_0001>
#map = affine_map<(d0, d1) -> (0, 0)>
#map1 = affine_map<(d0, d1) -> (0, 0, 0)>
module attributes {stable_mosaic.version = 14 : i64} {
  func.func @_body(%arg0: i32, %arg1: i32, %arg2: memref<1000000x32xi8, #tpu.memory_space<hbm>>, %arg3: memref<32x104x128xi32, #tpu.memory_space<hbm>>, %arg4: memref<425984x32xi8, #tpu.memory_space<hbm>>, %arg5: memref<104x128xi32, #tpu.memory_space<vmem>>, %arg6: memref<128x32xi8, #tpu.memory_space<vmem>>, %arg7: memref<128x32xi8, #tpu.memory_space<vmem>>, %arg8: memref<128x32xi8, #tpu.memory_space<vmem>>, %arg9: memref<128x32xi8, #tpu.memory_space<vmem>>, %arg10: memref<!tpu.dma_semaphore, #tpu.memory_space<semaphore_mem>>, %arg11: memref<!tpu.dma_semaphore, #tpu.memory_space<semaphore_mem>>, %arg12: memref<!tpu.dma_semaphore, #tpu.memory_space<semaphore_mem>>, %arg13: memref<!tpu.dma_semaphore, #tpu.memory_space<semaphore_mem>>, %arg14: memref<!tpu.dma_semaphore, #tpu.memory_space<semaphore_mem>>, %arg15: memref<!tpu.dma_semaphore, #tpu.memory_space<semaphore_mem>>, %arg16: memref<!tpu.dma_semaphore, #tpu.memory_space<semaphore_mem>>, %arg17: memref<!tpu.dma_semaphore, #tpu.memory_space<semaphore_mem>>) attributes {dimension_semantics = [#tpu.dimension_semantics<core_parallel>, #tpu.dimension_semantics<subcore_parallel>], iteration_bounds = array<i64: 2, 16>, scalar_prefetch = 0 : i64, scratch_operands = 13 : i64, tpu.core_type = #tpu.core_type<sc_vector_subcore>, window_params = [{transform_indices = #map}, {transform_indices = #map1}, {transform_indices = #map}]} {
    %mul3A = arith.constant 2 : i32
    %mul3A_0 = arith.muli %arg1, %mul3A : i32
    %add3A = arith.addi %mul3A_0, %arg0 : i32
    "tpu.region"() ({
      %run_scoped3A = tpu.sem_alloc : memref<!tpu.dma_semaphore, #tpu.memory_space<semaphore_mem>>
      %dma_start3A_58 = arith.constant 0 : i32
      %dma_start3A_59 = arith.constant 0 : i32
      %dma_start3A_60 = tpu.memref_slice %arg3[%add3A, %dma_start3A_58, %dma_start3A_59] : memref<32x104x128xi32, #tpu.memory_space<hbm>> -> memref<1x104x128xi32, #tpu.memory_space<hbm>>
      %dma_start3A_61 = tpu.memref_squeeze %dma_start3A_60 : memref<1x104x128xi32, #tpu.memory_space<hbm>> -> memref<104x128xi32, #tpu.memory_space<hbm>>
      %dma_start3A_62 = arith.constant 0 : i32
      %dma_start3A_63 = arith.constant 0 : i32
      %dma_start3A_64 = tpu.memref_slice %arg3[%add3A, %dma_start3A_62, %dma_start3A_63] : memref<32x104x128xi32, #tpu.memory_space<hbm>> -> memref<1x104x128xi32, #tpu.memory_space<hbm>>
      %dma_start3A_65 = tpu.memref_squeeze %dma_start3A_64 : memref<1x104x128xi32, #tpu.memory_space<hbm>> -> memref<104x128xi32, #tpu.memory_space<hbm>>
      tpu.enqueue_dma source(%dma_start3A_65 : memref<104x128xi32, #tpu.memory_space<hbm>>) target(%arg5 : memref<104x128xi32, #tpu.memory_space<vmem>>) target_semaphore(%run_scoped3A : memref<!tpu.dma_semaphore, #tpu.memory_space<semaphore_mem>>)
      %dma_wait3A_66 = arith.constant 0 : i32
      %dma_wait3A_67 = arith.constant 0 : i32
      %dma_wait3A_68 = tpu.memref_slice %arg3[%add3A, %dma_wait3A_66, %dma_wait3A_67] : memref<32x104x128xi32, #tpu.memory_space<hbm>> -> memref<1x104x128xi32, #tpu.memory_space<hbm>>
      %dma_wait3A_69 = tpu.memref_squeeze %dma_wait3A_68 : memref<1x104x128xi32, #tpu.memory_space<hbm>> -> memref<104x128xi32, #tpu.memory_space<hbm>>
      %dma_wait3A_70 = arith.constant 0 : i32
      %dma_wait3A_71 = arith.constant 0 : i32
      %dma_wait3A_72 = tpu.memref_slice %arg3[%add3A, %dma_wait3A_70, %dma_wait3A_71] : memref<32x104x128xi32, #tpu.memory_space<hbm>> -> memref<1x104x128xi32, #tpu.memory_space<hbm>>
      %dma_wait3A_73 = tpu.memref_squeeze %dma_wait3A_72 : memref<1x104x128xi32, #tpu.memory_space<hbm>> -> memref<104x128xi32, #tpu.memory_space<hbm>>
      tpu.wait_dma2 semaphore(%run_scoped3A : memref<!tpu.dma_semaphore, #tpu.memory_space<semaphore_mem>>) src(%dma_wait3A_73 : memref<104x128xi32, #tpu.memory_space<hbm>>) dst(%arg5 : memref<104x128xi32, #tpu.memory_space<vmem>>)
      tpu.yield
    }) : () -> ()
    %mul3A_1 = arith.constant 13312 : i32
    %mul3A_2 = arith.muli %add3A, %mul3A_1 : i32
    %dma_start3A = arith.constant 0 : i32
    %dma_start3A_3 = arith.constant 0 : i32
    %dma_start3A_4 = tpu.memref_slice %arg5[%dma_start3A, %dma_start3A_3] : memref<104x128xi32, #tpu.memory_space<vmem>> -> memref<1x128xi32, #tpu.memory_space<vmem>>
    %dma_start3A_5 = tpu.memref_squeeze %dma_start3A_4 : memref<1x128xi32, #tpu.memory_space<vmem>> -> memref<128xi32, #tpu.memory_space<vmem>>
    %dma_start3A_6 = arith.constant 0 : i32
    %dma_start3A_7 = arith.constant 0 : i32
    %dma_start3A_8 = tpu.memref_slice %arg2[%dma_start3A_6, %dma_start3A_7] : memref<1000000x32xi8, #tpu.memory_space<hbm>> -> memref<1000000x32xi8, #tpu.memory_space<hbm>>
    tpu.enqueue_indirect_dma source(%dma_start3A_8 : memref<1000000x32xi8, #tpu.memory_space<hbm>>) target(%arg6 : memref<128x32xi8, #tpu.memory_space<vmem>>) offsets(%dma_start3A_5 : memref<128xi32, #tpu.memory_space<vmem>>) semaphore(%arg10 : memref<!tpu.dma_semaphore, #tpu.memory_space<semaphore_mem>>)
    %dma_start3A_9 = arith.constant 1 : i32
    %dma_start3A_10 = arith.constant 0 : i32
    %dma_start3A_11 = tpu.memref_slice %arg5[%dma_start3A_9, %dma_start3A_10] : memref<104x128xi32, #tpu.memory_space<vmem>> -> memref<1x128xi32, #tpu.memory_space<vmem>>
    %dma_start3A_12 = tpu.memref_squeeze %dma_start3A_11 : memref<1x128xi32, #tpu.memory_space<vmem>> -> memref<128xi32, #tpu.memory_space<vmem>>
    %dma_start3A_13 = arith.constant 0 : i32
    %dma_start3A_14 = arith.constant 0 : i32
    %dma_start3A_15 = tpu.memref_slice %arg2[%dma_start3A_13, %dma_start3A_14] : memref<1000000x32xi8, #tpu.memory_space<hbm>> -> memref<1000000x32xi8, #tpu.memory_space<hbm>>
    tpu.enqueue_indirect_dma source(%dma_start3A_15 : memref<1000000x32xi8, #tpu.memory_space<hbm>>) target(%arg7 : memref<128x32xi8, #tpu.memory_space<vmem>>) offsets(%dma_start3A_12 : memref<128xi32, #tpu.memory_space<vmem>>) semaphore(%arg11 : memref<!tpu.dma_semaphore, #tpu.memory_space<semaphore_mem>>)
    %dma_start3A_16 = arith.constant 2 : i32
    %dma_start3A_17 = arith.constant 0 : i32
    %dma_start3A_18 = tpu.memref_slice %arg5[%dma_start3A_16, %dma_start3A_17] : memref<104x128xi32, #tpu.memory_space<vmem>> -> memref<1x128xi32, #tpu.memory_space<vmem>>
    %dma_start3A_19 = tpu.memref_squeeze %dma_start3A_18 : memref<1x128xi32, #tpu.memory_space<vmem>> -> memref<128xi32, #tpu.memory_space<vmem>>
    %dma_start3A_20 = arith.constant 0 : i32
    %dma_start3A_21 = arith.constant 0 : i32
    %dma_start3A_22 = tpu.memref_slice %arg2[%dma_start3A_20, %dma_start3A_21] : memref<1000000x32xi8, #tpu.memory_space<hbm>> -> memref<1000000x32xi8, #tpu.memory_space<hbm>>
    tpu.enqueue_indirect_dma source(%dma_start3A_22 : memref<1000000x32xi8, #tpu.memory_space<hbm>>) target(%arg8 : memref<128x32xi8, #tpu.memory_space<vmem>>) offsets(%dma_start3A_19 : memref<128xi32, #tpu.memory_space<vmem>>) semaphore(%arg12 : memref<!tpu.dma_semaphore, #tpu.memory_space<semaphore_mem>>)
    %dma_start3A_23 = arith.constant 3 : i32
    %dma_start3A_24 = arith.constant 0 : i32
    %dma_start3A_25 = tpu.memref_slice %arg5[%dma_start3A_23, %dma_start3A_24] : memref<104x128xi32, #tpu.memory_space<vmem>> -> memref<1x128xi32, #tpu.memory_space<vmem>>
    %dma_start3A_26 = tpu.memref_squeeze %dma_start3A_25 : memref<1x128xi32, #tpu.memory_space<vmem>> -> memref<128xi32, #tpu.memory_space<vmem>>
    %dma_start3A_27 = arith.constant 0 : i32
    %dma_start3A_28 = arith.constant 0 : i32
    %dma_start3A_29 = tpu.memref_slice %arg2[%dma_start3A_27, %dma_start3A_28] : memref<1000000x32xi8, #tpu.memory_space<hbm>> -> memref<1000000x32xi8, #tpu.memory_space<hbm>>
    tpu.enqueue_indirect_dma source(%dma_start3A_29 : memref<1000000x32xi8, #tpu.memory_space<hbm>>) target(%arg9 : memref<128x32xi8, #tpu.memory_space<vmem>>) offsets(%dma_start3A_26 : memref<128xi32, #tpu.memory_space<vmem>>) semaphore(%arg13 : memref<!tpu.dma_semaphore, #tpu.memory_space<semaphore_mem>>)
    %scan3A = arith.constant 0 : i32
    %scan3A_30 = arith.constant 0 : i32
    %scan3A_31 = arith.constant 26 : i32
    %scan3A_32 = arith.addi %scan3A_30, %scan3A_31 : i32
    %scan3A_33 = arith.constant 1 : i32
    scf.for %scan3A_58 = %scan3A_30 to %scan3A_32 step %scan3A_33  : i32 {
      %mul3A_59 = arith.constant 4 : i32
      %mul3A_60 = arith.muli %mul3A_59, %scan3A_58 : i32
      %add3A_61 = arith.constant 0 : i32
      %add3A_62 = arith.addi %mul3A_60, %add3A_61 : i32
      %dma_wait3A_63 = arith.constant 0 : i32
      %dma_wait3A_64 = tpu.memref_slice %arg5[%add3A_62, %dma_wait3A_63] : memref<104x128xi32, #tpu.memory_space<vmem>> -> memref<1x128xi32, #tpu.memory_space<vmem>>
      %dma_wait3A_65 = tpu.memref_squeeze %dma_wait3A_64 : memref<1x128xi32, #tpu.memory_space<vmem>> -> memref<128xi32, #tpu.memory_space<vmem>>
      %dma_wait3A_66 = arith.constant 0 : i32
      %dma_wait3A_67 = arith.constant 0 : i32
      %dma_wait3A_68 = tpu.memref_slice %arg2[%dma_wait3A_66, %dma_wait3A_67] : memref<1000000x32xi8, #tpu.memory_space<hbm>> -> memref<1000000x32xi8, #tpu.memory_space<hbm>>
      tpu.wait_indirect_dma semaphore(%arg10 : memref<!tpu.dma_semaphore, #tpu.memory_space<semaphore_mem>>) src(%dma_wait3A_68 : memref<1000000x32xi8, #tpu.memory_space<hbm>>) dst(%arg6 : memref<128x32xi8, #tpu.memory_space<vmem>>)
      %mul3A_69 = arith.constant 128 : i32
      %mul3A_70 = arith.muli %add3A_62, %mul3A_69 : i32
      %add3A_71 = arith.addi %mul3A_2, %mul3A_70 : i32
      %dma_start3A_72 = arith.constant 0 : i32
      %dma_start3A_73 = tpu.memref_slice %arg4[%add3A_71, %dma_start3A_72] : memref<425984x32xi8, #tpu.memory_space<hbm>> -> memref<128x32xi8, #tpu.memory_space<hbm>>
      %dma_start3A_74 = arith.constant 0 : i32
      %dma_start3A_75 = tpu.memref_slice %arg4[%add3A_71, %dma_start3A_74] : memref<425984x32xi8, #tpu.memory_space<hbm>> -> memref<128x32xi8, #tpu.memory_space<hbm>>
      tpu.enqueue_dma source(%arg6 : memref<128x32xi8, #tpu.memory_space<vmem>>) target(%dma_start3A_75 : memref<128x32xi8, #tpu.memory_space<hbm>>) target_semaphore(%arg14 : memref<!tpu.dma_semaphore, #tpu.memory_space<semaphore_mem>>)
      %add3A_76 = arith.constant 4 : i32
      %add3A_77 = arith.addi %add3A_62, %add3A_76 : i32
      %lt3A = arith.constant 104 : i32
      %lt3A_78 = arith.cmpi slt, %add3A_77, %lt3A : i32
      %convert_element_type3A = arith.extui %lt3A_78 : i1 to i32
      %cond3A = arith.constant 0 : i32
      %cond3A_79 = arith.cmpi ne, %convert_element_type3A, %cond3A : i32
      scf.if %cond3A_79 {
        %mul3A_152 = arith.constant 128 : i32
        %mul3A_153 = arith.muli %add3A_62, %mul3A_152 : i32
        %add3A_154 = arith.addi %mul3A_2, %mul3A_153 : i32
        %dma_wait3A_155 = arith.constant 0 : i32
        %dma_wait3A_156 = tpu.memref_slice %arg4[%add3A_154, %dma_wait3A_155] : memref<425984x32xi8, #tpu.memory_space<hbm>> -> memref<128x32xi8, #tpu.memory_space<hbm>>
        %dma_wait3A_157 = arith.constant 0 : i32
        %dma_wait3A_158 = tpu.memref_slice %arg4[%add3A_154, %dma_wait3A_157] : memref<425984x32xi8, #tpu.memory_space<hbm>> -> memref<128x32xi8, #tpu.memory_space<hbm>>
        tpu.wait_dma2 semaphore(%arg14 : memref<!tpu.dma_semaphore, #tpu.memory_space<semaphore_mem>>) src(%arg6 : memref<128x32xi8, #tpu.memory_space<vmem>>) dst(%dma_wait3A_158 : memref<128x32xi8, #tpu.memory_space<hbm>>)
        %add3A_159 = arith.constant 4 : i32
        %add3A_160 = arith.addi %add3A_62, %add3A_159 : i32
        %dma_start3A_161 = arith.constant 0 : i32
        %dma_start3A_162 = tpu.memref_slice %arg5[%add3A_160, %dma_start3A_161] : memref<104x128xi32, #tpu.memory_space<vmem>> -> memref<1x128xi32, #tpu.memory_space<vmem>>
        %dma_start3A_163 = tpu.memref_squeeze %dma_start3A_162 : memref<1x128xi32, #tpu.memory_space<vmem>> -> memref<128xi32, #tpu.memory_space<vmem>>
        %dma_start3A_164 = arith.constant 0 : i32
        %dma_start3A_165 = arith.constant 0 : i32
        %dma_start3A_166 = tpu.memref_slice %arg2[%dma_start3A_164, %dma_start3A_165] : memref<1000000x32xi8, #tpu.memory_space<hbm>> -> memref<1000000x32xi8, #tpu.memory_space<hbm>>
        tpu.enqueue_indirect_dma source(%dma_start3A_166 : memref<1000000x32xi8, #tpu.memory_space<hbm>>) target(%arg6 : memref<128x32xi8, #tpu.memory_space<vmem>>) offsets(%dma_start3A_163 : memref<128xi32, #tpu.memory_space<vmem>>) semaphore(%arg10 : memref<!tpu.dma_semaphore, #tpu.memory_space<semaphore_mem>>)
      } else {
      }
      %mul3A_80 = arith.constant 4 : i32
      %mul3A_81 = arith.muli %mul3A_80, %scan3A_58 : i32
      %add3A_82 = arith.constant 1 : i32
      %add3A_83 = arith.addi %mul3A_81, %add3A_82 : i32
      %dma_wait3A_84 = arith.constant 0 : i32
      %dma_wait3A_85 = tpu.memref_slice %arg5[%add3A_83, %dma_wait3A_84] : memref<104x128xi32, #tpu.memory_space<vmem>> -> memref<1x128xi32, #tpu.memory_space<vmem>>
      %dma_wait3A_86 = tpu.memref_squeeze %dma_wait3A_85 : memref<1x128xi32, #tpu.memory_space<vmem>> -> memref<128xi32, #tpu.memory_space<vmem>>
      %dma_wait3A_87 = arith.constant 0 : i32
      %dma_wait3A_88 = arith.constant 0 : i32
      %dma_wait3A_89 = tpu.memref_slice %arg2[%dma_wait3A_87, %dma_wait3A_88] : memref<1000000x32xi8, #tpu.memory_space<hbm>> -> memref<1000000x32xi8, #tpu.memory_space<hbm>>
      tpu.wait_indirect_dma semaphore(%arg11 : memref<!tpu.dma_semaphore, #tpu.memory_space<semaphore_mem>>) src(%dma_wait3A_89 : memref<1000000x32xi8, #tpu.memory_space<hbm>>) dst(%arg7 : memref<128x32xi8, #tpu.memory_space<vmem>>)
      %mul3A_90 = arith.constant 128 : i32
      %mul3A_91 = arith.muli %add3A_83, %mul3A_90 : i32
      %add3A_92 = arith.addi %mul3A_2, %mul3A_91 : i32
      %dma_start3A_93 = arith.constant 0 : i32
      %dma_start3A_94 = tpu.memref_slice %arg4[%add3A_92, %dma_start3A_93] : memref<425984x32xi8, #tpu.memory_space<hbm>> -> memref<128x32xi8, #tpu.memory_space<hbm>>
      %dma_start3A_95 = arith.constant 0 : i32
      %dma_start3A_96 = tpu.memref_slice %arg4[%add3A_92, %dma_start3A_95] : memref<425984x32xi8, #tpu.memory_space<hbm>> -> memref<128x32xi8, #tpu.memory_space<hbm>>
      tpu.enqueue_dma source(%arg7 : memref<128x32xi8, #tpu.memory_space<vmem>>) target(%dma_start3A_96 : memref<128x32xi8, #tpu.memory_space<hbm>>) target_semaphore(%arg15 : memref<!tpu.dma_semaphore, #tpu.memory_space<semaphore_mem>>)
      %add3A_97 = arith.constant 4 : i32
      %add3A_98 = arith.addi %add3A_83, %add3A_97 : i32
      %lt3A_99 = arith.constant 104 : i32
      %lt3A_100 = arith.cmpi slt, %add3A_98, %lt3A_99 : i32
      %convert_element_type3A_101 = arith.extui %lt3A_100 : i1 to i32
      %cond3A_102 = arith.constant 0 : i32
      %cond3A_103 = arith.cmpi ne, %convert_element_type3A_101, %cond3A_102 : i32
      scf.if %cond3A_103 {
        %mul3A_152 = arith.constant 128 : i32
        %mul3A_153 = arith.muli %add3A_83, %mul3A_152 : i32
        %add3A_154 = arith.addi %mul3A_2, %mul3A_153 : i32
        %dma_wait3A_155 = arith.constant 0 : i32
        %dma_wait3A_156 = tpu.memref_slice %arg4[%add3A_154, %dma_wait3A_155] : memref<425984x32xi8, #tpu.memory_space<hbm>> -> memref<128x32xi8, #tpu.memory_space<hbm>>
        %dma_wait3A_157 = arith.constant 0 : i32
        %dma_wait3A_158 = tpu.memref_slice %arg4[%add3A_154, %dma_wait3A_157] : memref<425984x32xi8, #tpu.memory_space<hbm>> -> memref<128x32xi8, #tpu.memory_space<hbm>>
        tpu.wait_dma2 semaphore(%arg15 : memref<!tpu.dma_semaphore, #tpu.memory_space<semaphore_mem>>) src(%arg7 : memref<128x32xi8, #tpu.memory_space<vmem>>) dst(%dma_wait3A_158 : memref<128x32xi8, #tpu.memory_space<hbm>>)
        %add3A_159 = arith.constant 4 : i32
        %add3A_160 = arith.addi %add3A_83, %add3A_159 : i32
        %dma_start3A_161 = arith.constant 0 : i32
        %dma_start3A_162 = tpu.memref_slice %arg5[%add3A_160, %dma_start3A_161] : memref<104x128xi32, #tpu.memory_space<vmem>> -> memref<1x128xi32, #tpu.memory_space<vmem>>
        %dma_start3A_163 = tpu.memref_squeeze %dma_start3A_162 : memref<1x128xi32, #tpu.memory_space<vmem>> -> memref<128xi32, #tpu.memory_space<vmem>>
        %dma_start3A_164 = arith.constant 0 : i32
        %dma_start3A_165 = arith.constant 0 : i32
        %dma_start3A_166 = tpu.memref_slice %arg2[%dma_start3A_164, %dma_start3A_165] : memref<1000000x32xi8, #tpu.memory_space<hbm>> -> memref<1000000x32xi8, #tpu.memory_space<hbm>>
        tpu.enqueue_indirect_dma source(%dma_start3A_166 : memref<1000000x32xi8, #tpu.memory_space<hbm>>) target(%arg7 : memref<128x32xi8, #tpu.memory_space<vmem>>) offsets(%dma_start3A_163 : memref<128xi32, #tpu.memory_space<vmem>>) semaphore(%arg11 : memref<!tpu.dma_semaphore, #tpu.memory_space<semaphore_mem>>)
      } else {
      }
      %mul3A_104 = arith.constant 4 : i32
      %mul3A_105 = arith.muli %mul3A_104, %scan3A_58 : i32
      %add3A_106 = arith.constant 2 : i32
      %add3A_107 = arith.addi %mul3A_105, %add3A_106 : i32
      %dma_wait3A_108 = arith.constant 0 : i32
      %dma_wait3A_109 = tpu.memref_slice %arg5[%add3A_107, %dma_wait3A_108] : memref<104x128xi32, #tpu.memory_space<vmem>> -> memref<1x128xi32, #tpu.memory_space<vmem>>
      %dma_wait3A_110 = tpu.memref_squeeze %dma_wait3A_109 : memref<1x128xi32, #tpu.memory_space<vmem>> -> memref<128xi32, #tpu.memory_space<vmem>>
      %dma_wait3A_111 = arith.constant 0 : i32
      %dma_wait3A_112 = arith.constant 0 : i32
      %dma_wait3A_113 = tpu.memref_slice %arg2[%dma_wait3A_111, %dma_wait3A_112] : memref<1000000x32xi8, #tpu.memory_space<hbm>> -> memref<1000000x32xi8, #tpu.memory_space<hbm>>
      tpu.wait_indirect_dma semaphore(%arg12 : memref<!tpu.dma_semaphore, #tpu.memory_space<semaphore_mem>>) src(%dma_wait3A_113 : memref<1000000x32xi8, #tpu.memory_space<hbm>>) dst(%arg8 : memref<128x32xi8, #tpu.memory_space<vmem>>)
      %mul3A_114 = arith.constant 128 : i32
      %mul3A_115 = arith.muli %add3A_107, %mul3A_114 : i32
      %add3A_116 = arith.addi %mul3A_2, %mul3A_115 : i32
      %dma_start3A_117 = arith.constant 0 : i32
      %dma_start3A_118 = tpu.memref_slice %arg4[%add3A_116, %dma_start3A_117] : memref<425984x32xi8, #tpu.memory_space<hbm>> -> memref<128x32xi8, #tpu.memory_space<hbm>>
      %dma_start3A_119 = arith.constant 0 : i32
      %dma_start3A_120 = tpu.memref_slice %arg4[%add3A_116, %dma_start3A_119] : memref<425984x32xi8, #tpu.memory_space<hbm>> -> memref<128x32xi8, #tpu.memory_space<hbm>>
      tpu.enqueue_dma source(%arg8 : memref<128x32xi8, #tpu.memory_space<vmem>>) target(%dma_start3A_120 : memref<128x32xi8, #tpu.memory_space<hbm>>) target_semaphore(%arg16 : memref<!tpu.dma_semaphore, #tpu.memory_space<semaphore_mem>>)
      %add3A_121 = arith.constant 4 : i32
      %add3A_122 = arith.addi %add3A_107, %add3A_121 : i32
      %lt3A_123 = arith.constant 104 : i32
      %lt3A_124 = arith.cmpi slt, %add3A_122, %lt3A_123 : i32
      %convert_element_type3A_125 = arith.extui %lt3A_124 : i1 to i32
      %cond3A_126 = arith.constant 0 : i32
      %cond3A_127 = arith.cmpi ne, %convert_element_type3A_125, %cond3A_126 : i32
      scf.if %cond3A_127 {
        %mul3A_152 = arith.constant 128 : i32
        %mul3A_153 = arith.muli %add3A_107, %mul3A_152 : i32
        %add3A_154 = arith.addi %mul3A_2, %mul3A_153 : i32
        %dma_wait3A_155 = arith.constant 0 : i32
        %dma_wait3A_156 = tpu.memref_slice %arg4[%add3A_154, %dma_wait3A_155] : memref<425984x32xi8, #tpu.memory_space<hbm>> -> memref<128x32xi8, #tpu.memory_space<hbm>>
        %dma_wait3A_157 = arith.constant 0 : i32
        %dma_wait3A_158 = tpu.memref_slice %arg4[%add3A_154, %dma_wait3A_157] : memref<425984x32xi8, #tpu.memory_space<hbm>> -> memref<128x32xi8, #tpu.memory_space<hbm>>
        tpu.wait_dma2 semaphore(%arg16 : memref<!tpu.dma_semaphore, #tpu.memory_space<semaphore_mem>>) src(%arg8 : memref<128x32xi8, #tpu.memory_space<vmem>>) dst(%dma_wait3A_158 : memref<128x32xi8, #tpu.memory_space<hbm>>)
        %add3A_159 = arith.constant 4 : i32
        %add3A_160 = arith.addi %add3A_107, %add3A_159 : i32
        %dma_start3A_161 = arith.constant 0 : i32
        %dma_start3A_162 = tpu.memref_slice %arg5[%add3A_160, %dma_start3A_161] : memref<104x128xi32, #tpu.memory_space<vmem>> -> memref<1x128xi32, #tpu.memory_space<vmem>>
        %dma_start3A_163 = tpu.memref_squeeze %dma_start3A_162 : memref<1x128xi32, #tpu.memory_space<vmem>> -> memref<128xi32, #tpu.memory_space<vmem>>
        %dma_start3A_164 = arith.constant 0 : i32
        %dma_start3A_165 = arith.constant 0 : i32
        %dma_start3A_166 = tpu.memref_slice %arg2[%dma_start3A_164, %dma_start3A_165] : memref<1000000x32xi8, #tpu.memory_space<hbm>> -> memref<1000000x32xi8, #tpu.memory_space<hbm>>
        tpu.enqueue_indirect_dma source(%dma_start3A_166 : memref<1000000x32xi8, #tpu.memory_space<hbm>>) target(%arg8 : memref<128x32xi8, #tpu.memory_space<vmem>>) offsets(%dma_start3A_163 : memref<128xi32, #tpu.memory_space<vmem>>) semaphore(%arg12 : memref<!tpu.dma_semaphore, #tpu.memory_space<semaphore_mem>>)
      } else {
      }
      %mul3A_128 = arith.constant 4 : i32
      %mul3A_129 = arith.muli %mul3A_128, %scan3A_58 : i32
      %add3A_130 = arith.constant 3 : i32
      %add3A_131 = arith.addi %mul3A_129, %add3A_130 : i32
      %dma_wait3A_132 = arith.constant 0 : i32
      %dma_wait3A_133 = tpu.memref_slice %arg5[%add3A_131, %dma_wait3A_132] : memref<104x128xi32, #tpu.memory_space<vmem>> -> memref<1x128xi32, #tpu.memory_space<vmem>>
      %dma_wait3A_134 = tpu.memref_squeeze %dma_wait3A_133 : memref<1x128xi32, #tpu.memory_space<vmem>> -> memref<128xi32, #tpu.memory_space<vmem>>
      %dma_wait3A_135 = arith.constant 0 : i32
      %dma_wait3A_136 = arith.constant 0 : i32
      %dma_wait3A_137 = tpu.memref_slice %arg2[%dma_wait3A_135, %dma_wait3A_136] : memref<1000000x32xi8, #tpu.memory_space<hbm>> -> memref<1000000x32xi8, #tpu.memory_space<hbm>>
      tpu.wait_indirect_dma semaphore(%arg13 : memref<!tpu.dma_semaphore, #tpu.memory_space<semaphore_mem>>) src(%dma_wait3A_137 : memref<1000000x32xi8, #tpu.memory_space<hbm>>) dst(%arg9 : memref<128x32xi8, #tpu.memory_space<vmem>>)
      %mul3A_138 = arith.constant 128 : i32
      %mul3A_139 = arith.muli %add3A_131, %mul3A_138 : i32
      %add3A_140 = arith.addi %mul3A_2, %mul3A_139 : i32
      %dma_start3A_141 = arith.constant 0 : i32
      %dma_start3A_142 = tpu.memref_slice %arg4[%add3A_140, %dma_start3A_141] : memref<425984x32xi8, #tpu.memory_space<hbm>> -> memref<128x32xi8, #tpu.memory_space<hbm>>
      %dma_start3A_143 = arith.constant 0 : i32
      %dma_start3A_144 = tpu.memref_slice %arg4[%add3A_140, %dma_start3A_143] : memref<425984x32xi8, #tpu.memory_space<hbm>> -> memref<128x32xi8, #tpu.memory_space<hbm>>
      tpu.enqueue_dma source(%arg9 : memref<128x32xi8, #tpu.memory_space<vmem>>) target(%dma_start3A_144 : memref<128x32xi8, #tpu.memory_space<hbm>>) target_semaphore(%arg17 : memref<!tpu.dma_semaphore, #tpu.memory_space<semaphore_mem>>)
      %add3A_145 = arith.constant 4 : i32
      %add3A_146 = arith.addi %add3A_131, %add3A_145 : i32
      %lt3A_147 = arith.constant 104 : i32
      %lt3A_148 = arith.cmpi slt, %add3A_146, %lt3A_147 : i32
      %convert_element_type3A_149 = arith.extui %lt3A_148 : i1 to i32
      %cond3A_150 = arith.constant 0 : i32
      %cond3A_151 = arith.cmpi ne, %convert_element_type3A_149, %cond3A_150 : i32
      scf.if %cond3A_151 {
        %mul3A_152 = arith.constant 128 : i32
        %mul3A_153 = arith.muli %add3A_131, %mul3A_152 : i32
        %add3A_154 = arith.addi %mul3A_2, %mul3A_153 : i32
        %dma_wait3A_155 = arith.constant 0 : i32
        %dma_wait3A_156 = tpu.memref_slice %arg4[%add3A_154, %dma_wait3A_155] : memref<425984x32xi8, #tpu.memory_space<hbm>> -> memref<128x32xi8, #tpu.memory_space<hbm>>
        %dma_wait3A_157 = arith.constant 0 : i32
        %dma_wait3A_158 = tpu.memref_slice %arg4[%add3A_154, %dma_wait3A_157] : memref<425984x32xi8, #tpu.memory_space<hbm>> -> memref<128x32xi8, #tpu.memory_space<hbm>>
        tpu.wait_dma2 semaphore(%arg17 : memref<!tpu.dma_semaphore, #tpu.memory_space<semaphore_mem>>) src(%arg9 : memref<128x32xi8, #tpu.memory_space<vmem>>) dst(%dma_wait3A_158 : memref<128x32xi8, #tpu.memory_space<hbm>>)
        %add3A_159 = arith.constant 4 : i32
        %add3A_160 = arith.addi %add3A_131, %add3A_159 : i32
        %dma_start3A_161 = arith.constant 0 : i32
        %dma_start3A_162 = tpu.memref_slice %arg5[%add3A_160, %dma_start3A_161] : memref<104x128xi32, #tpu.memory_space<vmem>> -> memref<1x128xi32, #tpu.memory_space<vmem>>
        %dma_start3A_163 = tpu.memref_squeeze %dma_start3A_162 : memref<1x128xi32, #tpu.memory_space<vmem>> -> memref<128xi32, #tpu.memory_space<vmem>>
        %dma_start3A_164 = arith.constant 0 : i32
        %dma_start3A_165 = arith.constant 0 : i32
        %dma_start3A_166 = tpu.memref_slice %arg2[%dma_start3A_164, %dma_start3A_165] : memref<1000000x32xi8, #tpu.memory_space<hbm>> -> memref<1000000x32xi8, #tpu.memory_space<hbm>>
        tpu.enqueue_indirect_dma source(%dma_start3A_166 : memref<1000000x32xi8, #tpu.memory_space<hbm>>) target(%arg9 : memref<128x32xi8, #tpu.memory_space<vmem>>) offsets(%dma_start3A_163 : memref<128xi32, #tpu.memory_space<vmem>>) semaphore(%arg13 : memref<!tpu.dma_semaphore, #tpu.memory_space<semaphore_mem>>)
      } else {
      }
    }
    %scan3A_34 = arith.constant 26 : i32
    %add3A_35 = arith.constant 12800 : i32
    %add3A_36 = arith.addi %mul3A_2, %add3A_35 : i32
    %dma_wait3A = arith.constant 0 : i32
    %dma_wait3A_37 = tpu.memref_slice %arg4[%add3A_36, %dma_wait3A] : memref<425984x32xi8, #tpu.memory_space<hbm>> -> memref<128x32xi8, #tpu.memory_space<hbm>>
    %dma_wait3A_38 = arith.constant 0 : i32
    %dma_wait3A_39 = tpu.memref_slice %arg4[%add3A_36, %dma_wait3A_38] : memref<425984x32xi8, #tpu.memory_space<hbm>> -> memref<128x32xi8, #tpu.memory_space<hbm>>
    tpu.wait_dma2 semaphore(%arg14 : memref<!tpu.dma_semaphore, #tpu.memory_space<semaphore_mem>>) src(%arg6 : memref<128x32xi8, #tpu.memory_space<vmem>>) dst(%dma_wait3A_39 : memref<128x32xi8, #tpu.memory_space<hbm>>)
    %add3A_40 = arith.constant 12928 : i32
    %add3A_41 = arith.addi %mul3A_2, %add3A_40 : i32
    %dma_wait3A_42 = arith.constant 0 : i32
    %dma_wait3A_43 = tpu.memref_slice %arg4[%add3A_41, %dma_wait3A_42] : memref<425984x32xi8, #tpu.memory_space<hbm>> -> memref<128x32xi8, #tpu.memory_space<hbm>>
    %dma_wait3A_44 = arith.constant 0 : i32
    %dma_wait3A_45 = tpu.memref_slice %arg4[%add3A_41, %dma_wait3A_44] : memref<425984x32xi8, #tpu.memory_space<hbm>> -> memref<128x32xi8, #tpu.memory_space<hbm>>
    tpu.wait_dma2 semaphore(%arg15 : memref<!tpu.dma_semaphore, #tpu.memory_space<semaphore_mem>>) src(%arg7 : memref<128x32xi8, #tpu.memory_space<vmem>>) dst(%dma_wait3A_45 : memref<128x32xi8, #tpu.memory_space<hbm>>)
    %add3A_46 = arith.constant 13056 : i32
    %add3A_47 = arith.addi %mul3A_2, %add3A_46 : i32
    %dma_wait3A_48 = arith.constant 0 : i32
    %dma_wait3A_49 = tpu.memref_slice %arg4[%add3A_47, %dma_wait3A_48] : memref<425984x32xi8, #tpu.memory_space<hbm>> -> memref<128x32xi8, #tpu.memory_space<hbm>>
    %dma_wait3A_50 = arith.constant 0 : i32
    %dma_wait3A_51 = tpu.memref_slice %arg4[%add3A_47, %dma_wait3A_50] : memref<425984x32xi8, #tpu.memory_space<hbm>> -> memref<128x32xi8, #tpu.memory_space<hbm>>
    tpu.wait_dma2 semaphore(%arg16 : memref<!tpu.dma_semaphore, #tpu.memory_space<semaphore_mem>>) src(%arg8 : memref<128x32xi8, #tpu.memory_space<vmem>>) dst(%dma_wait3A_51 : memref<128x32xi8, #tpu.memory_space<hbm>>)
    %add3A_52 = arith.constant 13184 : i32
    %add3A_53 = arith.addi %mul3A_2, %add3A_52 : i32
    %dma_wait3A_54 = arith.constant 0 : i32
    %dma_wait3A_55 = tpu.memref_slice %arg4[%add3A_53, %dma_wait3A_54] : memref<425984x32xi8, #tpu.memory_space<hbm>> -> memref<128x32xi8, #tpu.memory_space<hbm>>
    %dma_wait3A_56 = arith.constant 0 : i32
    %dma_wait3A_57 = tpu.memref_slice %arg4[%add3A_53, %dma_wait3A_56] : memref<425984x32xi8, #tpu.memory_space<hbm>> -> memref<128x32xi8, #tpu.memory_space<hbm>>
    tpu.wait_dma2 semaphore(%arg17 : memref<!tpu.dma_semaphore, #tpu.memory_space<semaphore_mem>>) src(%arg9 : memref<128x32xi8, #tpu.memory_space<vmem>>) dst(%dma_wait3A_57 : memref<128x32xi8, #tpu.memory_space<hbm>>)
    return
  }
}

module attributes {stable_mosaic.version = 14 : i64} {
  func.func @_dequant_body(%arg0: i32, %arg1: memref<512x832xi8, #tpu.memory_space<vmem>>, %arg2: memref<2xf32, #tpu.memory_space<smem>>, %arg3: memref<26x32x512xf32, #tpu.memory_space<vmem>>) attributes {dimension_semantics = [#tpu.dimension_semantics<arbitrary>], iteration_bounds = array<i64: 32>, scalar_prefetch = 0 : i64, scratch_operands = 0 : i64, tpu.core_type = #tpu.core_type<tc>, window_params = [{transform_indices = @transform_0, window_bounds = array<i64: 512, 832>}, {transform_indices = @transform_1, window_bounds = array<i64: 2>}, {transform_indices = @transform_2, window_bounds = array<i64: 26, 32, 512>}]} {
    %get3A = arith.constant 0 : index
    %get3A_0 = arith.constant 0 : index
    %get3A_1 = vector.load %arg1[%get3A, %get3A_0] : memref<512x832xi8, #tpu.memory_space<vmem>>, vector<512x832xi8>
    %convert_element_type3A = arith.sitofp %get3A_1 : vector<512x832xi8> to vector<512x832xf32>
    %get3A_2 = arith.constant 1 : index
    %get3A_3 = memref.load %arg2[%get3A_2] : memref<2xf32, #tpu.memory_space<smem>>
    %sub3A = vector.broadcast %get3A_3 : f32 to vector<512x832xf32>
    %sub3A_4 = arith.subf %convert_element_type3A, %sub3A : vector<512x832xf32>
    %get3A_5 = arith.constant 0 : index
    %get3A_6 = memref.load %arg2[%get3A_5] : memref<2xf32, #tpu.memory_space<smem>>
    %mul3A = vector.broadcast %get3A_6 : f32 to vector<512x832xf32>
    %mul3A_7 = arith.mulf %sub3A_4, %mul3A : vector<512x832xf32>
    %slice3A = vector.extract_strided_slice %mul3A_7 {offsets = [0, 0], sizes = [512, 32], strides = [1, 1]} : vector<512x832xf32> to vector<512x32xf32>
    %transpose3A = tpu.transpose %slice3A, [1, 0] : vector<512x32xf32> -> vector<32x512xf32>
    %swap3A = arith.constant 0 : index
    %swap3A_8 = arith.constant 0 : index
    %swap3A_9 = arith.constant 0 : index
    %swap3A_10 = vector.load %arg3[%swap3A, %swap3A_8, %swap3A_9] : memref<26x32x512xf32, #tpu.memory_space<vmem>>, vector<1x32x512xf32>
    %swap3A_11 = vector.shape_cast %swap3A_10 : vector<1x32x512xf32> to vector<32x512xf32>
    %swap3A_12 = vector.shape_cast %transpose3A : vector<32x512xf32> to vector<1x32x512xf32>
    tpu.vector_store %arg3[%swap3A, %swap3A_8, %swap3A_9], %swap3A_12 {strides = array<i32>} : memref<26x32x512xf32, #tpu.memory_space<vmem>>, vector<1x32x512xf32>,
    %slice3A_13 = vector.extract_strided_slice %mul3A_7 {offsets = [0, 32], sizes = [512, 32], strides = [1, 1]} : vector<512x832xf32> to vector<512x32xf32>
    %transpose3A_14 = tpu.transpose %slice3A_13, [1, 0] : vector<512x32xf32> -> vector<32x512xf32>
    %swap3A_15 = arith.constant 1 : index
    %swap3A_16 = arith.constant 0 : index
    %swap3A_17 = arith.constant 0 : index
    %swap3A_18 = vector.load %arg3[%swap3A_15, %swap3A_16, %swap3A_17] : memref<26x32x512xf32, #tpu.memory_space<vmem>>, vector<1x32x512xf32>
    %swap3A_19 = vector.shape_cast %swap3A_18 : vector<1x32x512xf32> to vector<32x512xf32>
    %swap3A_20 = vector.shape_cast %transpose3A_14 : vector<32x512xf32> to vector<1x32x512xf32>
    tpu.vector_store %arg3[%swap3A_15, %swap3A_16, %swap3A_17], %swap3A_20 {strides = array<i32>} : memref<26x32x512xf32, #tpu.memory_space<vmem>>, vector<1x32x512xf32>,
    %slice3A_21 = vector.extract_strided_slice %mul3A_7 {offsets = [0, 64], sizes = [512, 32], strides = [1, 1]} : vector<512x832xf32> to vector<512x32xf32>
    %transpose3A_22 = tpu.transpose %slice3A_21, [1, 0] : vector<512x32xf32> -> vector<32x512xf32>
    %swap3A_23 = arith.constant 2 : index
    %swap3A_24 = arith.constant 0 : index
    %swap3A_25 = arith.constant 0 : index
    %swap3A_26 = vector.load %arg3[%swap3A_23, %swap3A_24, %swap3A_25] : memref<26x32x512xf32, #tpu.memory_space<vmem>>, vector<1x32x512xf32>
    %swap3A_27 = vector.shape_cast %swap3A_26 : vector<1x32x512xf32> to vector<32x512xf32>
    %swap3A_28 = vector.shape_cast %transpose3A_22 : vector<32x512xf32> to vector<1x32x512xf32>
    tpu.vector_store %arg3[%swap3A_23, %swap3A_24, %swap3A_25], %swap3A_28 {strides = array<i32>} : memref<26x32x512xf32, #tpu.memory_space<vmem>>, vector<1x32x512xf32>,
    %slice3A_29 = vector.extract_strided_slice %mul3A_7 {offsets = [0, 96], sizes = [512, 32], strides = [1, 1]} : vector<512x832xf32> to vector<512x32xf32>
    %transpose3A_30 = tpu.transpose %slice3A_29, [1, 0] : vector<512x32xf32> -> vector<32x512xf32>
    %swap3A_31 = arith.constant 3 : index
    %swap3A_32 = arith.constant 0 : index
    %swap3A_33 = arith.constant 0 : index
    %swap3A_34 = vector.load %arg3[%swap3A_31, %swap3A_32, %swap3A_33] : memref<26x32x512xf32, #tpu.memory_space<vmem>>, vector<1x32x512xf32>
    %swap3A_35 = vector.shape_cast %swap3A_34 : vector<1x32x512xf32> to vector<32x512xf32>
    %swap3A_36 = vector.shape_cast %transpose3A_30 : vector<32x512xf32> to vector<1x32x512xf32>
    tpu.vector_store %arg3[%swap3A_31, %swap3A_32, %swap3A_33], %swap3A_36 {strides = array<i32>} : memref<26x32x512xf32, #tpu.memory_space<vmem>>, vector<1x32x512xf32>,
    %slice3A_37 = vector.extract_strided_slice %mul3A_7 {offsets = [0, 128], sizes = [512, 32], strides = [1, 1]} : vector<512x832xf32> to vector<512x32xf32>
    %transpose3A_38 = tpu.transpose %slice3A_37, [1, 0] : vector<512x32xf32> -> vector<32x512xf32>
    %swap3A_39 = arith.constant 4 : index
    %swap3A_40 = arith.constant 0 : index
    %swap3A_41 = arith.constant 0 : index
    %swap3A_42 = vector.load %arg3[%swap3A_39, %swap3A_40, %swap3A_41] : memref<26x32x512xf32, #tpu.memory_space<vmem>>, vector<1x32x512xf32>
    %swap3A_43 = vector.shape_cast %swap3A_42 : vector<1x32x512xf32> to vector<32x512xf32>
    %swap3A_44 = vector.shape_cast %transpose3A_38 : vector<32x512xf32> to vector<1x32x512xf32>
    tpu.vector_store %arg3[%swap3A_39, %swap3A_40, %swap3A_41], %swap3A_44 {strides = array<i32>} : memref<26x32x512xf32, #tpu.memory_space<vmem>>, vector<1x32x512xf32>,
    %slice3A_45 = vector.extract_strided_slice %mul3A_7 {offsets = [0, 160], sizes = [512, 32], strides = [1, 1]} : vector<512x832xf32> to vector<512x32xf32>
    %transpose3A_46 = tpu.transpose %slice3A_45, [1, 0] : vector<512x32xf32> -> vector<32x512xf32>
    %swap3A_47 = arith.constant 5 : index
    %swap3A_48 = arith.constant 0 : index
    %swap3A_49 = arith.constant 0 : index
    %swap3A_50 = vector.load %arg3[%swap3A_47, %swap3A_48, %swap3A_49] : memref<26x32x512xf32, #tpu.memory_space<vmem>>, vector<1x32x512xf32>
    %swap3A_51 = vector.shape_cast %swap3A_50 : vector<1x32x512xf32> to vector<32x512xf32>
    %swap3A_52 = vector.shape_cast %transpose3A_46 : vector<32x512xf32> to vector<1x32x512xf32>
    tpu.vector_store %arg3[%swap3A_47, %swap3A_48, %swap3A_49], %swap3A_52 {strides = array<i32>} : memref<26x32x512xf32, #tpu.memory_space<vmem>>, vector<1x32x512xf32>,
    %slice3A_53 = vector.extract_strided_slice %mul3A_7 {offsets = [0, 192], sizes = [512, 32], strides = [1, 1]} : vector<512x832xf32> to vector<512x32xf32>
    %transpose3A_54 = tpu.transpose %slice3A_53, [1, 0] : vector<512x32xf32> -> vector<32x512xf32>
    %swap3A_55 = arith.constant 6 : index
    %swap3A_56 = arith.constant 0 : index
    %swap3A_57 = arith.constant 0 : index
    %swap3A_58 = vector.load %arg3[%swap3A_55, %swap3A_56, %swap3A_57] : memref<26x32x512xf32, #tpu.memory_space<vmem>>, vector<1x32x512xf32>
    %swap3A_59 = vector.shape_cast %swap3A_58 : vector<1x32x512xf32> to vector<32x512xf32>
    %swap3A_60 = vector.shape_cast %transpose3A_54 : vector<32x512xf32> to vector<1x32x512xf32>
    tpu.vector_store %arg3[%swap3A_55, %swap3A_56, %swap3A_57], %swap3A_60 {strides = array<i32>} : memref<26x32x512xf32, #tpu.memory_space<vmem>>, vector<1x32x512xf32>,
    %slice3A_61 = vector.extract_strided_slice %mul3A_7 {offsets = [0, 224], sizes = [512, 32], strides = [1, 1]} : vector<512x832xf32> to vector<512x32xf32>
    %transpose3A_62 = tpu.transpose %slice3A_61, [1, 0] : vector<512x32xf32> -> vector<32x512xf32>
    %swap3A_63 = arith.constant 7 : index
    %swap3A_64 = arith.constant 0 : index
    %swap3A_65 = arith.constant 0 : index
    %swap3A_66 = vector.load %arg3[%swap3A_63, %swap3A_64, %swap3A_65] : memref<26x32x512xf32, #tpu.memory_space<vmem>>, vector<1x32x512xf32>
    %swap3A_67 = vector.shape_cast %swap3A_66 : vector<1x32x512xf32> to vector<32x512xf32>
    %swap3A_68 = vector.shape_cast %transpose3A_62 : vector<32x512xf32> to vector<1x32x512xf32>
    tpu.vector_store %arg3[%swap3A_63, %swap3A_64, %swap3A_65], %swap3A_68 {strides = array<i32>} : memref<26x32x512xf32, #tpu.memory_space<vmem>>, vector<1x32x512xf32>,
    %slice3A_69 = vector.extract_strided_slice %mul3A_7 {offsets = [0, 256], sizes = [512, 32], strides = [1, 1]} : vector<512x832xf32> to vector<512x32xf32>
    %transpose3A_70 = tpu.transpose %slice3A_69, [1, 0] : vector<512x32xf32> -> vector<32x512xf32>
    %swap3A_71 = arith.constant 8 : index
    %swap3A_72 = arith.constant 0 : index
    %swap3A_73 = arith.constant 0 : index
    %swap3A_74 = vector.load %arg3[%swap3A_71, %swap3A_72, %swap3A_73] : memref<26x32x512xf32, #tpu.memory_space<vmem>>, vector<1x32x512xf32>
    %swap3A_75 = vector.shape_cast %swap3A_74 : vector<1x32x512xf32> to vector<32x512xf32>
    %swap3A_76 = vector.shape_cast %transpose3A_70 : vector<32x512xf32> to vector<1x32x512xf32>
    tpu.vector_store %arg3[%swap3A_71, %swap3A_72, %swap3A_73], %swap3A_76 {strides = array<i32>} : memref<26x32x512xf32, #tpu.memory_space<vmem>>, vector<1x32x512xf32>,
    %slice3A_77 = vector.extract_strided_slice %mul3A_7 {offsets = [0, 288], sizes = [512, 32], strides = [1, 1]} : vector<512x832xf32> to vector<512x32xf32>
    %transpose3A_78 = tpu.transpose %slice3A_77, [1, 0] : vector<512x32xf32> -> vector<32x512xf32>
    %swap3A_79 = arith.constant 9 : index
    %swap3A_80 = arith.constant 0 : index
    %swap3A_81 = arith.constant 0 : index
    %swap3A_82 = vector.load %arg3[%swap3A_79, %swap3A_80, %swap3A_81] : memref<26x32x512xf32, #tpu.memory_space<vmem>>, vector<1x32x512xf32>
    %swap3A_83 = vector.shape_cast %swap3A_82 : vector<1x32x512xf32> to vector<32x512xf32>
    %swap3A_84 = vector.shape_cast %transpose3A_78 : vector<32x512xf32> to vector<1x32x512xf32>
    tpu.vector_store %arg3[%swap3A_79, %swap3A_80, %swap3A_81], %swap3A_84 {strides = array<i32>} : memref<26x32x512xf32, #tpu.memory_space<vmem>>, vector<1x32x512xf32>,
    %slice3A_85 = vector.extract_strided_slice %mul3A_7 {offsets = [0, 320], sizes = [512, 32], strides = [1, 1]} : vector<512x832xf32> to vector<512x32xf32>
    %transpose3A_86 = tpu.transpose %slice3A_85, [1, 0] : vector<512x32xf32> -> vector<32x512xf32>
    %swap3A_87 = arith.constant 10 : index
    %swap3A_88 = arith.constant 0 : index
    %swap3A_89 = arith.constant 0 : index
    %swap3A_90 = vector.load %arg3[%swap3A_87, %swap3A_88, %swap3A_89] : memref<26x32x512xf32, #tpu.memory_space<vmem>>, vector<1x32x512xf32>
    %swap3A_91 = vector.shape_cast %swap3A_90 : vector<1x32x512xf32> to vector<32x512xf32>
    %swap3A_92 = vector.shape_cast %transpose3A_86 : vector<32x512xf32> to vector<1x32x512xf32>
    tpu.vector_store %arg3[%swap3A_87, %swap3A_88, %swap3A_89], %swap3A_92 {strides = array<i32>} : memref<26x32x512xf32, #tpu.memory_space<vmem>>, vector<1x32x512xf32>,
    %slice3A_93 = vector.extract_strided_slice %mul3A_7 {offsets = [0, 352], sizes = [512, 32], strides = [1, 1]} : vector<512x832xf32> to vector<512x32xf32>
    %transpose3A_94 = tpu.transpose %slice3A_93, [1, 0] : vector<512x32xf32> -> vector<32x512xf32>
    %swap3A_95 = arith.constant 11 : index
    %swap3A_96 = arith.constant 0 : index
    %swap3A_97 = arith.constant 0 : index
    %swap3A_98 = vector.load %arg3[%swap3A_95, %swap3A_96, %swap3A_97] : memref<26x32x512xf32, #tpu.memory_space<vmem>>, vector<1x32x512xf32>
    %swap3A_99 = vector.shape_cast %swap3A_98 : vector<1x32x512xf32> to vector<32x512xf32>
    %swap3A_100 = vector.shape_cast %transpose3A_94 : vector<32x512xf32> to vector<1x32x512xf32>
    tpu.vector_store %arg3[%swap3A_95, %swap3A_96, %swap3A_97], %swap3A_100 {strides = array<i32>} : memref<26x32x512xf32, #tpu.memory_space<vmem>>, vector<1x32x512xf32>,
    %slice3A_101 = vector.extract_strided_slice %mul3A_7 {offsets = [0, 384], sizes = [512, 32], strides = [1, 1]} : vector<512x832xf32> to vector<512x32xf32>
    %transpose3A_102 = tpu.transpose %slice3A_101, [1, 0] : vector<512x32xf32> -> vector<32x512xf32>
    %swap3A_103 = arith.constant 12 : index
    %swap3A_104 = arith.constant 0 : index
    %swap3A_105 = arith.constant 0 : index
    %swap3A_106 = vector.load %arg3[%swap3A_103, %swap3A_104, %swap3A_105] : memref<26x32x512xf32, #tpu.memory_space<vmem>>, vector<1x32x512xf32>
    %swap3A_107 = vector.shape_cast %swap3A_106 : vector<1x32x512xf32> to vector<32x512xf32>
    %swap3A_108 = vector.shape_cast %transpose3A_102 : vector<32x512xf32> to vector<1x32x512xf32>
    tpu.vector_store %arg3[%swap3A_103, %swap3A_104, %swap3A_105], %swap3A_108 {strides = array<i32>} : memref<26x32x512xf32, #tpu.memory_space<vmem>>, vector<1x32x512xf32>,
    %slice3A_109 = vector.extract_strided_slice %mul3A_7 {offsets = [0, 416], sizes = [512, 32], strides = [1, 1]} : vector<512x832xf32> to vector<512x32xf32>
    %transpose3A_110 = tpu.transpose %slice3A_109, [1, 0] : vector<512x32xf32> -> vector<32x512xf32>
    %swap3A_111 = arith.constant 13 : index
    %swap3A_112 = arith.constant 0 : index
    %swap3A_113 = arith.constant 0 : index
    %swap3A_114 = vector.load %arg3[%swap3A_111, %swap3A_112, %swap3A_113] : memref<26x32x512xf32, #tpu.memory_space<vmem>>, vector<1x32x512xf32>
    %swap3A_115 = vector.shape_cast %swap3A_114 : vector<1x32x512xf32> to vector<32x512xf32>
    %swap3A_116 = vector.shape_cast %transpose3A_110 : vector<32x512xf32> to vector<1x32x512xf32>
    tpu.vector_store %arg3[%swap3A_111, %swap3A_112, %swap3A_113], %swap3A_116 {strides = array<i32>} : memref<26x32x512xf32, #tpu.memory_space<vmem>>, vector<1x32x512xf32>,
    %slice3A_117 = vector.extract_strided_slice %mul3A_7 {offsets = [0, 448], sizes = [512, 32], strides = [1, 1]} : vector<512x832xf32> to vector<512x32xf32>
    %transpose3A_118 = tpu.transpose %slice3A_117, [1, 0] : vector<512x32xf32> -> vector<32x512xf32>
    %swap3A_119 = arith.constant 14 : index
    %swap3A_120 = arith.constant 0 : index
    %swap3A_121 = arith.constant 0 : index
    %swap3A_122 = vector.load %arg3[%swap3A_119, %swap3A_120, %swap3A_121] : memref<26x32x512xf32, #tpu.memory_space<vmem>>, vector<1x32x512xf32>
    %swap3A_123 = vector.shape_cast %swap3A_122 : vector<1x32x512xf32> to vector<32x512xf32>
    %swap3A_124 = vector.shape_cast %transpose3A_118 : vector<32x512xf32> to vector<1x32x512xf32>
    tpu.vector_store %arg3[%swap3A_119, %swap3A_120, %swap3A_121], %swap3A_124 {strides = array<i32>} : memref<26x32x512xf32, #tpu.memory_space<vmem>>, vector<1x32x512xf32>,
    %slice3A_125 = vector.extract_strided_slice %mul3A_7 {offsets = [0, 480], sizes = [512, 32], strides = [1, 1]} : vector<512x832xf32> to vector<512x32xf32>
    %transpose3A_126 = tpu.transpose %slice3A_125, [1, 0] : vector<512x32xf32> -> vector<32x512xf32>
    %swap3A_127 = arith.constant 15 : index
    %swap3A_128 = arith.constant 0 : index
    %swap3A_129 = arith.constant 0 : index
    %swap3A_130 = vector.load %arg3[%swap3A_127, %swap3A_128, %swap3A_129] : memref<26x32x512xf32, #tpu.memory_space<vmem>>, vector<1x32x512xf32>
    %swap3A_131 = vector.shape_cast %swap3A_130 : vector<1x32x512xf32> to vector<32x512xf32>
    %swap3A_132 = vector.shape_cast %transpose3A_126 : vector<32x512xf32> to vector<1x32x512xf32>
    tpu.vector_store %arg3[%swap3A_127, %swap3A_128, %swap3A_129], %swap3A_132 {strides = array<i32>} : memref<26x32x512xf32, #tpu.memory_space<vmem>>, vector<1x32x512xf32>,
    %slice3A_133 = vector.extract_strided_slice %mul3A_7 {offsets = [0, 512], sizes = [512, 32], strides = [1, 1]} : vector<512x832xf32> to vector<512x32xf32>
    %transpose3A_134 = tpu.transpose %slice3A_133, [1, 0] : vector<512x32xf32> -> vector<32x512xf32>
    %swap3A_135 = arith.constant 16 : index
    %swap3A_136 = arith.constant 0 : index
    %swap3A_137 = arith.constant 0 : index
    %swap3A_138 = vector.load %arg3[%swap3A_135, %swap3A_136, %swap3A_137] : memref<26x32x512xf32, #tpu.memory_space<vmem>>, vector<1x32x512xf32>
    %swap3A_139 = vector.shape_cast %swap3A_138 : vector<1x32x512xf32> to vector<32x512xf32>
    %swap3A_140 = vector.shape_cast %transpose3A_134 : vector<32x512xf32> to vector<1x32x512xf32>
    tpu.vector_store %arg3[%swap3A_135, %swap3A_136, %swap3A_137], %swap3A_140 {strides = array<i32>} : memref<26x32x512xf32, #tpu.memory_space<vmem>>, vector<1x32x512xf32>,
    %slice3A_141 = vector.extract_strided_slice %mul3A_7 {offsets = [0, 544], sizes = [512, 32], strides = [1, 1]} : vector<512x832xf32> to vector<512x32xf32>
    %transpose3A_142 = tpu.transpose %slice3A_141, [1, 0] : vector<512x32xf32> -> vector<32x512xf32>
    %swap3A_143 = arith.constant 17 : index
    %swap3A_144 = arith.constant 0 : index
    %swap3A_145 = arith.constant 0 : index
    %swap3A_146 = vector.load %arg3[%swap3A_143, %swap3A_144, %swap3A_145] : memref<26x32x512xf32, #tpu.memory_space<vmem>>, vector<1x32x512xf32>
    %swap3A_147 = vector.shape_cast %swap3A_146 : vector<1x32x512xf32> to vector<32x512xf32>
    %swap3A_148 = vector.shape_cast %transpose3A_142 : vector<32x512xf32> to vector<1x32x512xf32>
    tpu.vector_store %arg3[%swap3A_143, %swap3A_144, %swap3A_145], %swap3A_148 {strides = array<i32>} : memref<26x32x512xf32, #tpu.memory_space<vmem>>, vector<1x32x512xf32>,
    %slice3A_149 = vector.extract_strided_slice %mul3A_7 {offsets = [0, 576], sizes = [512, 32], strides = [1, 1]} : vector<512x832xf32> to vector<512x32xf32>
    %transpose3A_150 = tpu.transpose %slice3A_149, [1, 0] : vector<512x32xf32> -> vector<32x512xf32>
    %swap3A_151 = arith.constant 18 : index
    %swap3A_152 = arith.constant 0 : index
    %swap3A_153 = arith.constant 0 : index
    %swap3A_154 = vector.load %arg3[%swap3A_151, %swap3A_152, %swap3A_153] : memref<26x32x512xf32, #tpu.memory_space<vmem>>, vector<1x32x512xf32>
    %swap3A_155 = vector.shape_cast %swap3A_154 : vector<1x32x512xf32> to vector<32x512xf32>
    %swap3A_156 = vector.shape_cast %transpose3A_150 : vector<32x512xf32> to vector<1x32x512xf32>
    tpu.vector_store %arg3[%swap3A_151, %swap3A_152, %swap3A_153], %swap3A_156 {strides = array<i32>} : memref<26x32x512xf32, #tpu.memory_space<vmem>>, vector<1x32x512xf32>,
    %slice3A_157 = vector.extract_strided_slice %mul3A_7 {offsets = [0, 608], sizes = [512, 32], strides = [1, 1]} : vector<512x832xf32> to vector<512x32xf32>
    %transpose3A_158 = tpu.transpose %slice3A_157, [1, 0] : vector<512x32xf32> -> vector<32x512xf32>
    %swap3A_159 = arith.constant 19 : index
    %swap3A_160 = arith.constant 0 : index
    %swap3A_161 = arith.constant 0 : index
    %swap3A_162 = vector.load %arg3[%swap3A_159, %swap3A_160, %swap3A_161] : memref<26x32x512xf32, #tpu.memory_space<vmem>>, vector<1x32x512xf32>
    %swap3A_163 = vector.shape_cast %swap3A_162 : vector<1x32x512xf32> to vector<32x512xf32>
    %swap3A_164 = vector.shape_cast %transpose3A_158 : vector<32x512xf32> to vector<1x32x512xf32>
    tpu.vector_store %arg3[%swap3A_159, %swap3A_160, %swap3A_161], %swap3A_164 {strides = array<i32>} : memref<26x32x512xf32, #tpu.memory_space<vmem>>, vector<1x32x512xf32>,
    %slice3A_165 = vector.extract_strided_slice %mul3A_7 {offsets = [0, 640], sizes = [512, 32], strides = [1, 1]} : vector<512x832xf32> to vector<512x32xf32>
    %transpose3A_166 = tpu.transpose %slice3A_165, [1, 0] : vector<512x32xf32> -> vector<32x512xf32>
    %swap3A_167 = arith.constant 20 : index
    %swap3A_168 = arith.constant 0 : index
    %swap3A_169 = arith.constant 0 : index
    %swap3A_170 = vector.load %arg3[%swap3A_167, %swap3A_168, %swap3A_169] : memref<26x32x512xf32, #tpu.memory_space<vmem>>, vector<1x32x512xf32>
    %swap3A_171 = vector.shape_cast %swap3A_170 : vector<1x32x512xf32> to vector<32x512xf32>
    %swap3A_172 = vector.shape_cast %transpose3A_166 : vector<32x512xf32> to vector<1x32x512xf32>
    tpu.vector_store %arg3[%swap3A_167, %swap3A_168, %swap3A_169], %swap3A_172 {strides = array<i32>} : memref<26x32x512xf32, #tpu.memory_space<vmem>>, vector<1x32x512xf32>,
    %slice3A_173 = vector.extract_strided_slice %mul3A_7 {offsets = [0, 672], sizes = [512, 32], strides = [1, 1]} : vector<512x832xf32> to vector<512x32xf32>
    %transpose3A_174 = tpu.transpose %slice3A_173, [1, 0] : vector<512x32xf32> -> vector<32x512xf32>
    %swap3A_175 = arith.constant 21 : index
    %swap3A_176 = arith.constant 0 : index
    %swap3A_177 = arith.constant 0 : index
    %swap3A_178 = vector.load %arg3[%swap3A_175, %swap3A_176, %swap3A_177] : memref<26x32x512xf32, #tpu.memory_space<vmem>>, vector<1x32x512xf32>
    %swap3A_179 = vector.shape_cast %swap3A_178 : vector<1x32x512xf32> to vector<32x512xf32>
    %swap3A_180 = vector.shape_cast %transpose3A_174 : vector<32x512xf32> to vector<1x32x512xf32>
    tpu.vector_store %arg3[%swap3A_175, %swap3A_176, %swap3A_177], %swap3A_180 {strides = array<i32>} : memref<26x32x512xf32, #tpu.memory_space<vmem>>, vector<1x32x512xf32>,
    %slice3A_181 = vector.extract_strided_slice %mul3A_7 {offsets = [0, 704], sizes = [512, 32], strides = [1, 1]} : vector<512x832xf32> to vector<512x32xf32>
    %transpose3A_182 = tpu.transpose %slice3A_181, [1, 0] : vector<512x32xf32> -> vector<32x512xf32>
    %swap3A_183 = arith.constant 22 : index
    %swap3A_184 = arith.constant 0 : index
    %swap3A_185 = arith.constant 0 : index
    %swap3A_186 = vector.load %arg3[%swap3A_183, %swap3A_184, %swap3A_185] : memref<26x32x512xf32, #tpu.memory_space<vmem>>, vector<1x32x512xf32>
    %swap3A_187 = vector.shape_cast %swap3A_186 : vector<1x32x512xf32> to vector<32x512xf32>
    %swap3A_188 = vector.shape_cast %transpose3A_182 : vector<32x512xf32> to vector<1x32x512xf32>
    tpu.vector_store %arg3[%swap3A_183, %swap3A_184, %swap3A_185], %swap3A_188 {strides = array<i32>} : memref<26x32x512xf32, #tpu.memory_space<vmem>>, vector<1x32x512xf32>,
    %slice3A_189 = vector.extract_strided_slice %mul3A_7 {offsets = [0, 736], sizes = [512, 32], strides = [1, 1]} : vector<512x832xf32> to vector<512x32xf32>
    %transpose3A_190 = tpu.transpose %slice3A_189, [1, 0] : vector<512x32xf32> -> vector<32x512xf32>
    %swap3A_191 = arith.constant 23 : index
    %swap3A_192 = arith.constant 0 : index
    %swap3A_193 = arith.constant 0 : index
    %swap3A_194 = vector.load %arg3[%swap3A_191, %swap3A_192, %swap3A_193] : memref<26x32x512xf32, #tpu.memory_space<vmem>>, vector<1x32x512xf32>
    %swap3A_195 = vector.shape_cast %swap3A_194 : vector<1x32x512xf32> to vector<32x512xf32>
    %swap3A_196 = vector.shape_cast %transpose3A_190 : vector<32x512xf32> to vector<1x32x512xf32>
    tpu.vector_store %arg3[%swap3A_191, %swap3A_192, %swap3A_193], %swap3A_196 {strides = array<i32>} : memref<26x32x512xf32, #tpu.memory_space<vmem>>, vector<1x32x512xf32>,
    %slice3A_197 = vector.extract_strided_slice %mul3A_7 {offsets = [0, 768], sizes = [512, 32], strides = [1, 1]} : vector<512x832xf32> to vector<512x32xf32>
    %transpose3A_198 = tpu.transpose %slice3A_197, [1, 0] : vector<512x32xf32> -> vector<32x512xf32>
    %swap3A_199 = arith.constant 24 : index
    %swap3A_200 = arith.constant 0 : index
    %swap3A_201 = arith.constant 0 : index
    %swap3A_202 = vector.load %arg3[%swap3A_199, %swap3A_200, %swap3A_201] : memref<26x32x512xf32, #tpu.memory_space<vmem>>, vector<1x32x512xf32>
    %swap3A_203 = vector.shape_cast %swap3A_202 : vector<1x32x512xf32> to vector<32x512xf32>
    %swap3A_204 = vector.shape_cast %transpose3A_198 : vector<32x512xf32> to vector<1x32x512xf32>
    tpu.vector_store %arg3[%swap3A_199, %swap3A_200, %swap3A_201], %swap3A_204 {strides = array<i32>} : memref<26x32x512xf32, #tpu.memory_space<vmem>>, vector<1x32x512xf32>,
    %slice3A_205 = vector.extract_strided_slice %mul3A_7 {offsets = [0, 800], sizes = [512, 32], strides = [1, 1]} : vector<512x832xf32> to vector<512x32xf32>
    %transpose3A_206 = tpu.transpose %slice3A_205, [1, 0] : vector<512x32xf32> -> vector<32x512xf32>
    %swap3A_207 = arith.constant 25 : index
    %swap3A_208 = arith.constant 0 : index
    %swap3A_209 = arith.constant 0 : index
    %swap3A_210 = vector.load %arg3[%swap3A_207, %swap3A_208, %swap3A_209] : memref<26x32x512xf32, #tpu.memory_space<vmem>>, vector<1x32x512xf32>
    %swap3A_211 = vector.shape_cast %swap3A_210 : vector<1x32x512xf32> to vector<32x512xf32>
    %swap3A_212 = vector.shape_cast %transpose3A_206 : vector<32x512xf32> to vector<1x32x512xf32>
    tpu.vector_store %arg3[%swap3A_207, %swap3A_208, %swap3A_209], %swap3A_212 {strides = array<i32>} : memref<26x32x512xf32, #tpu.memory_space<vmem>>, vector<1x32x512xf32>,
    return
  }
  func.func @transform_0(%arg0: i32) -> (i32, i32) {
    %c0_i32 = arith.constant 0 : i32
    %c0_i32_0 = arith.constant 0 : i32
    return %arg0, %c0_i32 : i32, i32
  }
  func.func @transform_1(%arg0: i32) -> i32 {
    %c0_i32 = arith.constant 0 : i32
    %c0_i32_0 = arith.constant 0 : i32
    return %c0_i32 : i32
  }
  func.func @transform_2(%arg0: i32) -> (i32, i32, i32) {
    %c0_i32 = arith.constant 0 : i32
    %c0_i32_0 = arith.constant 0 : i32
    %c0_i32_1 = arith.constant 0 : i32
    return %c0_i32, %c0_i32_0, %arg0 : i32, i32, i32
  }
}

</mosaic_0001>

<sc_bundles>
// kernel: kernel.4.cloned.1.call-start
scs
__scs_entry_jumppad:
0x0: {  	(pc) =	sbr.rel $0x88, $3  }
0x1: {  	(tag) =	ssettag $0x0;
	lr =	simm.s32 $0x1  }
0x2: {  	[smem:$0x3F9D] =	sst lr;
	_ =	strace $0xD0000000  }
0x3: {  	_ = 	snop  }
0x4: {  	_ = 	snop  }
0x5: {  	_ = 	snop  }
0x6: {  	_ = 	snop  }
0x7: {  	_ = 	snop  }
__scs_overlays_trampoline_lowered:
0x8: {  	[smem:$0x3FAC] =	sst s0  }
0x9: {  	[smem:$0x3FAD] =	sst s1  }
0xa: {  	[smem:$0x3FAE] =	sst s2  }
0xb: {  	[smem:$0x3FAF] =	sst s3  }
0xc: {  	[smem:$0x3FB0] =	sst s4  }
0xd: {  	[smem:$0x3FB1] =	sst s5  }
0xe: {  	[smem:$0x3FB2] =	sst s6  }
0xf: {  	[smem:$0x3FB3] =	sst s7  }
0x10: {  	[smem:$0x3FB4] =	sst s8  }
0x11: {  	[smem:$0x3FB5] =	sst s9;
	s0 =	simm.s32 @!p0 $0x0  }
0x12: {  	s1 =	sld [smem:$0x3F9B];
	s0 =	simm.s32 @p0 $0x1  }
0x13: {  	[smem:$0x3FB6] =	sst s0;
	s0 =	simm.s32 @!p1 $0x0  }
0x14: {  	s2 =	sld [smem:$0x3F9A];
	s0 =	simm.s32 @p1 $0x1  }
0x15: {  	[smem:$0x3FB7] =	sst s0;
	s0 =	simm.s32 @!p2 $0x0  }
0x16: {  	s3 =	sld [smem:$0x3FDB];
	s0 =	simm.s32 @p2 $0x1  }
0x17: {  	s4 =	simm.s32 $0x1BF5;
	[smem:$0x3FB9] =	sst s0  }
0x18: {  	s0 =	sld [smem:$0x3F9C];
	_ =	swait.ge [sflag:s4], $0x0  }
0x19: {  	s7 =	sld [smem:$0x3F9D]  }
0x1a: {  	s8 =	sadd.s32 $0xFFFFE003, lr  }
0x1b: {  	s9 =	sadd.s32 $0xFFFFFEF7, lr;
	s5 =	simm.s32 $0xFFFFFFFF;
	p2 =	slt.u32 s8, $0xFFFFF086  }
0x1c: {  	p1 =	slt.u32 s9, $0xF7A;
	s5 =	simm.s32 @!p2 $0x0  }
0x1d: {  	s5 =	simm.s32 @p1 $0x1;
	p0 =	seq.s32 s7, s2  }
0x1e: {  	s7 =	smul.u32 @!p0 $0xF7A, s2;
	p2 =	seq.s32 @!p0 s5, $0x0  }
0x1f: {  	s9 =	smul.u32 $0xF7A, s1;
	s8 =	simm.s32 @!p0 $0x1BF5;
	p2 =	por !p2, p0  }
0x20: {  	[sflag:s8] =	ssyncset.s32 @!p0 $0xFFFFF086;
	s6 =	sadd.s32 @!p0 s3, s7;
	s7 =	simm.s32 @!p0 $0x108  }
0x21: {  	s3 =	sadd.s32 s3, s9;
	s6 =	sadd.s32 @!p0 $0x88, s6;
	s7 =	simm.s32 @p2 $0x1082  }
0x22: {  	[simem:s7], [sflag:s8] =	dma.local @!p0 [hbm:s6], $0xF7A  }
0x23: {  	s9 =	sor.u32 $0xD0000000, s2;
	s6 =	simm.s32 $0x108;
	_ =	swait.ge @!p0 [sflag:s8], $0x0  }
0x24: {  	s3 =	sadd.s32 $0x88, s3;
	s6 =	simm.s32 @!p1 $0x1082;
	[sflag:s4] =	ssyncset.s32 $0xFFFFF086  }
0x25: {  	[simem:s6], [sflag:s4] =	dma.local [hbm:s3], $0xF7A  }
0x26: {  	[smem:$0x3F9D] =	sst s1;
	(tag) =	ssettag s2;
	_ =	strace s9  }
0x27: {  	s1 =	sld [smem:$0x3FAD]  }
0x28: {  	s2 =	sld [smem:$0x3FAE]  }
0x29: {  	s4 =	sld [smem:$0x3FB0]  }
0x2a: {  	p0 =	seq.s32 s5, $0x0;
	s5 =	sld [smem:$0x3FB1]  }
0x2b: {  	s6 =	sld [smem:$0x3FB2]  }
0x2c: {  	s7 =	sld [smem:$0x3FB3]  }
0x2d: {  	s3 =	simm.s32 $0x108;
	s8 =	sld [smem:$0x3FB4]  }
0x2e: {  	s3 =	simm.s32 @!p0 $0x1082;
	s9 =	sld [smem:$0x3FB5]  }
0x2f: {  	lr =	sadd.s32 s0, s3;
	s0 =	sld [smem:$0x3FAC]  }
0x30: {  	s3 =	sld [smem:$0x3FAF]  }
0x31: {  	[smem:$0x3FB8] =	sst s10  }
0x32: {  	s10 =	sld [smem:$0x3FB6];
	_ =	sdelay $0x3  }
0x33: {  	p0 =	seq.s32 s10, $0x1;
	s10 =	sld [smem:$0x3FB8];
	_ =	sdelay $0x3  }
0x34: {  	[smem:$0x3FB8] =	sst s10  }
0x35: {  	s10 =	sld [smem:$0x3FB7];
	_ =	sdelay $0x3  }
0x36: {  	p1 =	seq.s32 s10, $0x1;
	s10 =	sld [smem:$0x3FB8];
	_ =	sdelay $0x3  }
0x37: {  	[smem:$0x3FB8] =	sst s10  }
0x38: {  	s10 =	sld [smem:$0x3FB9]  }
0x39: {  	_ = 	snop;
	(pc) =	sbr.ind lr, $3  }
0x3a: {  	_ = 	snop  }
0x3b: {  	_ = 	snop  }
0x3c: {  	p2 =	seq.s32 s10, $0x1;
	s10 =	sld [smem:$0x3FB8]  }
0x3d: {  	_ =	shalt  }
0x3e: {  	_ =	shalt  }
0x3f: {  	_ =	shalt  }
0x40: {  	_ =	shalt  }
0x41: {  	_ =	shalt  }
0x42: {  	_ =	shalt  }
0x43: {  	_ =	shalt  }
0x44: {  	_ =	shalt  }
0x45: {  	_ =	shalt  }
0x46: {  	_ =	shalt  }
0x47: {  	_ =	shalt  }
0x48: {  	_ =	shalt  }
0x49: {  	_ =	shalt  }
0x4a: {  	_ =	shalt  }
0x4b: {  	_ =	shalt  }
0x4c: {  	_ =	shalt  }
0x4d: {  	_ =	shalt  }
0x4e: {  	_ =	shalt  }
0x4f: {  	_ =	shalt  }
0x50: {  	_ =	shalt  }
0x51: {  	_ =	shalt  }
0x52: {  	_ =	shalt  }
0x53: {  	_ =	shalt  }
0x54: {  	_ =	shalt  }
0x55: {  	_ =	shalt  }
0x56: {  	_ =	shalt  }
0x57: {  	_ =	shalt  }
0x58: {  	_ =	shalt  }
0x59: {  	_ =	shalt  }
0x5a: {  	_ =	shalt  }
0x5b: {  	_ =	shalt  }
0x5c: {  	_ =	shalt  }
0x5d: {  	_ =	shalt  }
0x5e: {  	_ =	shalt  }
0x5f: {  	_ =	shalt  }
0x60: {  	_ =	shalt  }
0x61: {  	_ =	shalt  }
0x62: {  	_ =	shalt  }
0x63: {  	_ =	shalt  }
0x64: {  	_ =	shalt  }
0x65: {  	_ =	shalt  }
0x66: {  	_ =	shalt  }
0x67: {  	_ =	shalt  }
0x68: {  	_ =	shalt  }
0x69: {  	_ =	shalt  }
0x6a: {  	_ =	shalt  }
0x6b: {  	_ =	shalt  }
0x6c: {  	_ =	shalt  }
0x6d: {  	_ =	shalt  }
0x6e: {  	_ =	shalt  }
0x6f: {  	_ =	shalt  }
0x70: {  	_ =	shalt  }
0x71: {  	_ =	shalt  }
0x72: {  	_ =	shalt  }
0x73: {  	_ =	shalt  }
0x74: {  	_ =	shalt  }
0x75: {  	_ =	shalt  }
0x76: {  	_ =	shalt  }
0x77: {  	_ =	shalt  }
0x78: {  	_ =	shalt  }
0x79: {  	_ =	shalt  }
0x7a: {  	_ =	shalt  }
0x7b: {  	_ =	shalt  }
0x7c: {  	_ =	shalt  }
0x7d: {  	_ =	shalt  }
0x7e: {  	_ =	shalt  }
0x7f: {  	_ =	shalt  }
0x80: {  	_ =	shalt  }
0x81: {  	_ =	shalt  }
0x82: {  	_ =	shalt  }
0x83: {  	_ =	shalt  }
0x84: {  	_ =	shalt  }
0x85: {  	_ =	shalt  }
0x86: {  	_ =	shalt  }
0x87: {  	_ =	shalt  }
.Lfunc_end0:
.L_simem_size_0:
called_computation_lowered:
.L_overlay_start_0:
0x88: {  	s2 =	sld [smem:$0x3FD9]  }
0x89: {  	s3 =	sld [smem:$0x3FFE];
	_ =	sdelay $0x1  }
0x8a: {  	s1 =	srdreg.scid  }
0x8b: {  	s0 =	sand.u32 $0x1, s1  }
0x8c: {  	s17 =	sshll.u32 s0, $0xA;
	s2 =	sadd.s32 s3, s2  }
0x8d: {  	s2 =	sadd.s32 s2, s17  }
0x8e: {  	[smem:$0x3FC4] =	sst s2  }
0x8f: {  	_ = 	snop  }
0x90: {  	s2 =	sld [smem:$0x3FD0];
	(tm) =	ssettm $0x1  }
0x91: {  	s18 =	sld [smem:$0x3FFB];
	_ =	sdelay $0x3  }
0x92: {  	_ =	strace s18  }
0x93: {  	s3 =	sld [smem:$0x3FFC];
	_ =	sdelay $0x3  }
0x94: {  	_ =	strace s3  }
0x95: {  	s3 =	sld [smem:$0x3FFD];
	_ =	sdelay $0x3  }
0x96: {  	_ =	strace s3  }
0x97: {  	_ =	strace $0x8FFFFFFF  }
0x98: {  	s19 =	sld [smem:$0x3FDB];
	_ =	sdelay $0x1  }
0x99: {  	s4 =	simm.s32 $_scs_section_size  }
0x9a: {  	s5 =	simm.s32 $_size__tile_overlayer_lowered;
	s6 =	simm.s32 $_tile_overlayer_lowered  }
0x9b: {  	s22 =	simm.s32 $0x1BFF;
	s21 =	sshll.u32 s6, $0x1;
	s3 =	sadd.s32 s4, s19  }
0x9c: {  	s7 =	simm.s32 $0x0;
	s20 =	sshll.u32 s5, $0x1;
	s5 =	sadd.s32 s21, s3  }
0x9d: {  	[timem:s7], [sflag:s22] =	dma.local [hbm:s5], s20  }
0x9e: {  	_ =	swait.ge [sflag:s22], s20  }
0x9f: {  	s4 =	ssub.s32 $0x0, s20;
	[sflag:s22] =	ssyncset.done $0x0  }
0xa0: {  	[sflag:s22] =	ssyncadd.s32 s4;
	_ =	sdelay $0x1  }
0xa1: {  	s23 =	simm.s32 $0x1B8B  }
0xa2: {  	_ =	swait.ge [sflag:s23], $0x1  }
0xa3: {  	[sflag:s23] =	ssyncset.done $0x0  }
0xa4: {  	s25 =	simm.s32 $0x1B8E;
	s24 =	sld [smem:$0x3FFE];
	[sflag:s23] =	ssyncadd.s32 $0xFFFFFFFF  }
0xa5: {  	s26 =	simm.s32 $execute0_lowered;
	[smem:$0x3FD2] =	sst s25  }
0xa6: {  	s5 =	sshll.u32 s26, $0x1;
	_ =	strace $0x80000046;
	[dreg:$0x1] =	wrdreg $0xFFFFFFFF  }
0xa7: {  	s28 =	simm.s32 $_size_execute0_lowered;
	s3 =	sadd.s32 s3, s5;
	[dreg:$0x0] =	wrdreg $0x0  }
0xa8: {  	s5 =	sshll.u32 s28, $0x1;
	[dreg:$0x2] =	wrdreg s3  }
0xa9: {  	[dreg:$0x3] =	wrdreg s5  }
0xaa: {  	[dreg:$0x4] =	wrdreg $0xC0  }
0xab: {  	_ =	task [dreg:s7], $0x5FFFF  }
0xac: {  	[dreg:$0x1] =	wrdreg $0xFFFFFFFF  }
0xad: {  	[dreg:$0x0] =	wrdreg $0x60  }
0xae: {  	[dreg:$0x2] =	wrdreg s2  }
0xaf: {  	[dreg:$0x3] =	wrdreg s24  }
0xb0: {  	[dreg:$0x4] =	wrdreg $0x9  }
0xb1: {  	_ =	task.clear_ibuf [dreg:s7], $0x5FFFF;
	_ =	strace $0x90000046  }
0xb2: {  	s29 =	simm.s32 $0x9;
	_ =	strace $0x80000048  }
0xb3: {  	_ =	swait.ge [sflag:s29], $0x1  }
0xb4: {  	[sflag:s29] =	ssyncadd.s32 $0xFFFFFFFF  }
0xb5: {  	_ =	strace $0x90000048  }
0xb6: {  	_ =	sfence  }
0xb7: {  	s30 =	sld [smem:$0x0];
	_ =	sdelay $0x2  }
0xb8: {  	s31 =	sshll.u32 s1, $0xD;
	s1 =	sshrl.u32 s1, $0x2  }
0xb9: {  	s3 =	sand.u32 $0x4000, s31;
	s1 =	sadd.s32 s1, s30  }
0xba: {  	s0 =	sor.u32 s3, s0;
	s1 =	sshll.u32 s1, $0x11  }
0xbb: {  	s0 =	sor.u32 s1, s0  }
0xbc: {  	s0 =	sadd.s32 $0x8F2B, s0  }
0xbd: {  	[sflag:s0] =	ssyncadd.remote.s32 $0x1  }
0xbe: {  	_ =	sfence.sel $0xFFFF  }
0xbf: {  	[dreg:$0x0] =	wrdreg $0xFFFFFFFF;
	(pc) =	sbr.abs _section_cstart, $3  }
0xc0: {  	[dreg:$0x1] =	wrdreg $0xFFFFFFFF  }
0xc1: {  	_ =	task.clear_ibuf [dreg:s7], $0x2FFFF;
	_ =	strace $0x9FFFFFFF  }
0xc2: {  	(tm) =	ssettm $0x7FFFFFFF  }
0xc3: {  	_ =	shalt  }
tec
execute0_lowered:
.L_overlay_start_1:
0x0: {  	(tag) =	ssettag $0x1  }
0x1: {  	s1 =	srdreg.scid;
	s2 =	rddreg [dreg:$0x0]  }
0x2: {  	s0 =	stileid.u32;
	s5 =	rddreg [dreg:$0x1]  }
0x3: {  	s14 =	simm.s32 $0x3400;
	s15 =	simm.s32 $0x3800;
	s17 =	simm.s32 $0x3C00  }
0x4: {  	s18 =	simm.s32 $0x180;
	s19 =	simm.s32 $0x4000;
	s20 =	simm.s32 $0x1  }
0x5: {  	s21 =	simm.s32 $0x5;
	s22 =	simm.s32 $0x2;
	s23 =	simm.s32 $0x6  }
0x6: {  	s24 =	simm.s32 $0x3;
	s25 =	simm.s32 $0x7;
	s10 =	smul.u32 $0xD0000, s0  }
0x7: {  	s28 =	simm.s32 $0x8;
	s1 =	sand.u32 $0x1, s1;
	s13 =	smul.u32 $0x6800, s0  }
0x8: {  	s29 =	simm.s32 $0x0;
	s3 =	sshll.u32 s0, $0x1;
	s31 =	smul.u32 $0x68000, s1  }
0x9: {  	s4 =	sor.u32 s1, s3;
	s8 =	ssub.s32 $0x2, s1;
	s1 =	smul.u32 $0x3400, s1  }
0xa: {  	s11 =	sadd.s32 $0xD400, s5;
	s3 =	simm.s32 $0x0;
	s6 =	smul.u32 $0x3400, s4  }
0xb: {  	[smem:$0x7FF] =	sst s3;
	s26 =	sshrl.u32 s8, $0x1;
	s9 =	smul.u32 $0x68000, s4  }
0xc: {  	_ =	strace $0x80000047;
	s8 =	ssub.s32 s8, s26;
	s26 =	simm.s32 $0x4  }
0xd: {  	s7 =	sshrl.u32 s6, $0x3;
	s12 =	sadd.s32 s6, s11;
	s30 =	sshrl.u32 s9, $0x5  }
0xe: {  	s6 =	smax.u32 s8, $0x1;
	s9 =	sadd.s32 s31, s10;
	s7 =	sadd.s32 s7, s5  }
0xf: {  	s5 =	sadd.s32 $0x3300, s12;
	s8 =	sadd.s32 $0x3280, s12;
	s10 =	sshrl.u32 s9, $0x5  }
0x10: {  	s9 =	sadd.s32 $0x3380, s12;
	s12 =	simm.s32 $0x9;
	s4 =	sadd.s32 $0x400, s7  }
0x11: {  	s7 =	sadd.s32 s11, s30;
	s10 =	sadd.s32 s10, s11;
	s11 =	sadd.s32 s13, s11  }
0x12: {  	s13 =	simm.s32 $0x80;
	s7 =	sadd.s32 $0x3200, s7;
	s11 =	sadd.s32 s1, s11  }
.LBB2_1:
0x13: {  	[tilespmem:s3], [sflag:$0x9] =	stream.linear.gather [hbm4b:s4+s3], $0x3400, $0x38;
	[tilespmem:$0x4400] =	vst v63  }
0x14: {  	_ =	swait.ge [sflag:s12], $0x3400  }
0x15: {  	[sflag:s12] =	ssyncset.done $0x0  }
0x16: {  	[sflag:s12] =	ssyncadd.s32 $0xFFFFCC00  }
0x17: {  	[tilespmem:s14], [sflag:$0x1] =	stream.indirect.gather [hbm4b:s2+s13], $0x8, s3, s13, $0xb8;
	[tilespmem:$0x4400] =	vst v63  }
0x18: {  	_ = 	snop  }
0x19: {  	[tilespmem:s15], [sflag:$0x2] =	stream.indirect.gather [hbm4b:s2+s13], $0x8, s13, s13, $0xb8;
	[tilespmem:$0x4400] =	vst v63  }
0x1a: {  	s0 =	simm.s32 $0x100  }
0x1b: {  	[tilespmem:s17], [sflag:$0x3] =	stream.indirect.gather [hbm4b:s2+s13], $0x8, s0, s13, $0xb8;
	[tilespmem:$0x4400] =	vst v63  }
0x1c: {  	_ = 	snop  }
0x1d: {  	[tilespmem:s19], [sflag:$0x4] =	stream.indirect.gather [hbm4b:s2+s13], $0x8, s18, s13, $0xb8;
	[tilespmem:$0x4400] =	vst v63  }
0x1e: {  	_ =	swait.ge [sflag:s20], $0x400  }
0x1f: {  	[sflag:s20] =	ssyncset.done $0x0  }
0x20: {  	s1 =	sadd.s32 $0x0, s10;
	[sflag:s20] =	ssyncadd.s32 $0xFFFFFC00  }
0x21: {  	[hbm4b:s1+s3] =	stream.linear.scatter [tilespmem:s14], [sflag:$0x5], $0x400, $0x38;
	[tilespmem:$0x4400] =	vst v63  }
0x22: {  	_ =	swait.ge [sflag:s21], $0x400  }
0x23: {  	[sflag:s21] =	ssyncset.done $0x0  }
0x24: {  	s0 =	simm.s32 $0x200;
	[sflag:s21] =	ssyncadd.s32 $0xFFFFFC00  }
0x25: {  	[tilespmem:s14], [sflag:$0x1] =	stream.indirect.gather [hbm4b:s2+s13], $0x8, s0, s13, $0xb8;
	[tilespmem:$0x4400] =	vst v63  }
0x26: {  	_ =	swait.ge [sflag:s22], $0x400  }
0x27: {  	s16 =	sadd.s32 $0x0, s11;
	[sflag:s22] =	ssyncset.done $0x0  }
0x28: {  	s30 =	sadd.s32 $0x80, s16;
	[sflag:s22] =	ssyncadd.s32 $0xFFFFFC00  }
0x29: {  	[hbm4b:s30+s3] =	stream.linear.scatter [tilespmem:s15], [sflag:$0x6], $0x400, $0x38;
	[tilespmem:$0x4400] =	vst v63  }
0x2a: {  	_ =	swait.ge [sflag:s23], $0x400  }
0x2b: {  	[sflag:s23] =	ssyncset.done $0x0  }
0x2c: {  	s30 =	simm.s32 $0x280;
	[sflag:s23] =	ssyncadd.s32 $0xFFFFFC00  }
0x2d: {  	[tilespmem:s15], [sflag:$0x2] =	stream.indirect.gather [hbm4b:s2+s13], $0x8, s30, s13, $0xb8;
	[tilespmem:$0x4400] =	vst v63  }
0x2e: {  	_ =	swait.ge [sflag:s24], $0x400  }
0x2f: {  	[sflag:s24] =	ssyncset.done $0x0  }
0x30: {  	s30 =	sadd.s32 $0x100, s16;
	[sflag:s24] =	ssyncadd.s32 $0xFFFFFC00  }
0x31: {  	[hbm4b:s30+s3] =	stream.linear.scatter [tilespmem:s17], [sflag:$0x7], $0x400, $0x38;
	[tilespmem:$0x4400] =	vst v63  }
0x32: {  	_ =	swait.ge [sflag:s25], $0x400  }
0x33: {  	[sflag:s25] =	ssyncset.done $0x0  }
0x34: {  	s30 =	simm.s32 $0x300;
	[sflag:s25] =	ssyncadd.s32 $0xFFFFFC00  }
0x35: {  	[tilespmem:s17], [sflag:$0x3] =	stream.indirect.gather [hbm4b:s2+s13], $0x8, s30, s13, $0xb8;
	[tilespmem:$0x4400] =	vst v63  }
0x36: {  	_ =	swait.ge [sflag:s26], $0x400  }
0x37: {  	[sflag:s26] =	ssyncset.done $0x0  }
0x38: {  	s1 =	sadd.s32 $0x180, s16;
	[sflag:s26] =	ssyncadd.s32 $0xFFFFFC00  }
0x39: {  	[hbm4b:s1+s3] =	stream.linear.scatter [tilespmem:s19], [sflag:$0x8], $0x400, $0x38;
	[tilespmem:$0x4400] =	vst v63  }
0x3a: {  	_ =	swait.ge [sflag:s28], $0x400  }
0x3b: {  	s31 =	simm.s32 $0x200;
	[sflag:s28] =	ssyncset.done $0x0  }
0x3c: {  	s30 =	simm.s32 $0x380;
	s1 =	simm.s32 $0x580;
	[sflag:s28] =	ssyncadd.s32 $0xFFFFFC00  }
.LBB2_2:
0x3d: {  	[tilespmem:s19], [sflag:$0x4] =	stream.indirect.gather [hbm4b:s2+s13], $0x8, s30, s13, $0xb8;
	[tilespmem:$0x4400] =	vst v63  }
0x3e: {  	s0 =	smov.u32 s31;
	s30 =	smov.u32 s1  }
0x3f: {  	p0 =	sne.s32 s31, $0x3000;
	s31 =	sadd.s32 $0x200, s31;
	_ =	swait.ge [sflag:s20], $0x400  }
0x40: {  	[sflag:s20] =	ssyncset.done $0x0  }
0x41: {  	s16 =	sadd.s32 s0, s10;
	[sflag:s20] =	ssyncadd.s32 $0xFFFFFC00  }
0x42: {  	[hbm4b:s16+s3] =	stream.linear.scatter [tilespmem:s14], [sflag:$0x5], $0x400, $0x38;
	[tilespmem:$0x4400] =	vst v63  }
0x43: {  	_ =	swait.ge [sflag:s21], $0x400  }
0x44: {  	[sflag:s21] =	ssyncset.done $0x0  }
0x45: {  	s16 =	sadd.s32 $0xFFFFFE80, s1;
	[sflag:s21] =	ssyncadd.s32 $0xFFFFFC00  }
0x46: {  	[tilespmem:s14], [sflag:$0x1] =	stream.indirect.gather [hbm4b:s2+s13], $0x8, s16, s13, $0xb8;
	[tilespmem:$0x4400] =	vst v63  }
0x47: {  	_ =	swait.ge [sflag:s22], $0x400  }
0x48: {  	s0 =	sadd.s32 s0, s11;
	[sflag:s22] =	ssyncset.done $0x0  }
0x49: {  	s16 =	sadd.s32 $0x80, s0;
	[sflag:s22] =	ssyncadd.s32 $0xFFFFFC00  }
0x4a: {  	[hbm4b:s16+s3] =	stream.linear.scatter [tilespmem:s15], [sflag:$0x6], $0x400, $0x38;
	[tilespmem:$0x4400] =	vst v63  }
0x4b: {  	_ =	swait.ge [sflag:s23], $0x400  }
0x4c: {  	[sflag:s23] =	ssyncset.done $0x0  }
0x4d: {  	s16 =	sadd.s32 $0xFFFFFF00, s1;
	[sflag:s23] =	ssyncadd.s32 $0xFFFFFC00  }
0x4e: {  	[tilespmem:s15], [sflag:$0x2] =	stream.indirect.gather [hbm4b:s2+s13], $0x8, s16, s13, $0xb8;
	[tilespmem:$0x4400] =	vst v63  }
0x4f: {  	_ =	swait.ge [sflag:s24], $0x400  }
0x50: {  	[sflag:s24] =	ssyncset.done $0x0  }
0x51: {  	s16 =	sadd.s32 $0x100, s0;
	[sflag:s24] =	ssyncadd.s32 $0xFFFFFC00  }
0x52: {  	[hbm4b:s16+s3] =	stream.linear.scatter [tilespmem:s17], [sflag:$0x7], $0x400, $0x38;
	[tilespmem:$0x4400] =	vst v63  }
0x53: {  	_ =	swait.ge [sflag:s25], $0x400  }
0x54: {  	[sflag:s25] =	ssyncset.done $0x0  }
0x55: {  	s16 =	sadd.s32 $0xFFFFFF80, s1;
	[sflag:s25] =	ssyncadd.s32 $0xFFFFFC00  }
0x56: {  	[tilespmem:s17], [sflag:$0x3] =	stream.indirect.gather [hbm4b:s2+s13], $0x8, s16, s13, $0xb8;
	[tilespmem:$0x4400] =	vst v63  }
0x57: {  	_ =	swait.ge [sflag:s26], $0x400  }
0x58: {  	[sflag:s26] =	ssyncset.done $0x0  }
.Ltmp0:
0x59: {  	s0 =	sadd.s32 $0x180, s0;
	[sflag:s26] =	ssyncadd.s32 $0xFFFFFC00;
	(pc) =	sbr.rel @p0 .LBB2_2-.Ltmp0, $4  }
0x5a: {  	[hbm4b:s0+s3] =	stream.linear.scatter [tilespmem:s19], [sflag:$0x8], $0x400, $0x38;
	[tilespmem:$0x4400] =	vst v63  }
0x5b: {  	_ =	swait.ge [sflag:s28], $0x400  }
0x5c: {  	[sflag:s28] =	ssyncset.done $0x0  }
0x5d: {  	s1 =	sadd.s32 $0x200, s1;
	[sflag:s28] =	ssyncadd.s32 $0xFFFFFC00  }
0x5e: {  	[tilespmem:s19], [sflag:$0x4] =	stream.indirect.gather [hbm4b:s2+s13], $0x8, s30, s13, $0xb8;
	[tilespmem:$0x4400] =	vst v63  }
0x5f: {  	_ =	swait.ge [sflag:s20], $0x400  }
0x60: {  	[sflag:s20] =	ssyncset.done $0x0  }
0x61: {  	[sflag:s20] =	ssyncadd.s32 $0xFFFFFC00  }
0x62: {  	[hbm4b:s7+s3] =	stream.linear.scatter [tilespmem:s14], [sflag:$0x5], $0x400, $0x38;
	[tilespmem:$0x4400] =	vst v63  }
0x63: {  	_ =	swait.ge [sflag:s22], $0x400  }
0x64: {  	[sflag:s22] =	ssyncset.done $0x0  }
0x65: {  	[sflag:s22] =	ssyncadd.s32 $0xFFFFFC00  }
0x66: {  	[hbm4b:s8+s3] =	stream.linear.scatter [tilespmem:s15], [sflag:$0x6], $0x400, $0x38;
	[tilespmem:$0x4400] =	vst v63  }
0x67: {  	_ =	swait.ge [sflag:s24], $0x400  }
0x68: {  	[sflag:s24] =	ssyncset.done $0x0  }
0x69: {  	[sflag:s24] =	ssyncadd.s32 $0xFFFFFC00  }
0x6a: {  	[hbm4b:s5+s3] =	stream.linear.scatter [tilespmem:s17], [sflag:$0x7], $0x400, $0x38;
	[tilespmem:$0x4400] =	vst v63  }
0x6b: {  	_ =	swait.ge [sflag:s26], $0x400  }
0x6c: {  	[sflag:s26] =	ssyncset.done $0x0  }
0x6d: {  	[sflag:s26] =	ssyncadd.s32 $0xFFFFFC00  }
0x6e: {  	[hbm4b:s9+s3] =	stream.linear.scatter [tilespmem:s19], [sflag:$0x8], $0x400, $0x38;
	[tilespmem:$0x4400] =	vst v63  }
0x6f: {  	_ =	swait.ge [sflag:s21], $0x400  }
0x70: {  	[sflag:s21] =	ssyncset.done $0x0  }
0x71: {  	[sflag:s21] =	ssyncadd.s32 $0xFFFFFC00  }
0x72: {  	_ =	swait.ge [sflag:s23], $0x400  }
0x73: {  	[sflag:s23] =	ssyncset.done $0x0  }
0x74: {  	s29 =	sadd.s32 $0x1, s29;
	[sflag:s23] =	ssyncadd.s32 $0xFFFFFC00  }
0x75: {  	p0 =	sne.s32 s29, s6;
	_ =	swait.ge [sflag:s25], $0x400  }
.Ltmp1:
0x76: {  	[sflag:s25] =	ssyncset.done $0x0;
	(pc) =	sbr.rel @p0 .LBB2_1-.Ltmp1, $4  }
0x77: {  	[sflag:s25] =	ssyncadd.s32 $0xFFFFFC00  }
0x78: {  	_ =	swait.ge [sflag:s28], $0x400  }
0x79: {  	[sflag:s28] =	ssyncset.done $0x0  }
0x7a: {  	[sflag:s28] =	ssyncadd.s32 $0xFFFFFC00  }
0x7b: {  	_ =	sfence.sel $0x180000  }
0x7c: {  	[bflag:$0x0] =	sbarrier.arrive $0xFFFF  }
0x7d: {  	_ =	strace $0x90000047  }
0x7e: {  	s0 =	stileid.u32;
	[bflag:$0x2] =	sbarrier.arrive $0xFFFF  }
0x7f: {  	p0 =	sne.s32 s0, $0x0;
	s0 =	rddreg [dreg:$0x2]  }
0x80: {  	s0 =	sadd.s32 @!p0 $0x100000, s0  }
0x81: {  	[sflag:s0] =	ssyncadd.tile.s32 @!p0 $0x1;
	_ =	shalt  }
.Lfunc_end2:
_tile_overlayer_lowered:
.L_overlay_start_2:
0x82: {  	(tag) =	ssettag $0x2  }
0x83: {  	s0 =	rddreg [dreg:$0x0];
	s2 =	stileid.u32  }
0x84: {  	s1 =	rddreg [dreg:$0x1];
	p0 =	sne.s32 s2, $0x0  }
0x85: {  	s3 =	rddreg [dreg:$0x2];
	[bflag:$0x3] =	sbarrier.arrive $0xFFFF;
	s2 =	simm.s32 @!p0 $0x1C09  }
0x86: {  	[timem:s3], [sflag:s2] =	dma.local @!p0 [hbm:s0], s1  }
0x87: {  	s0 =	simm.s32 @!p0 $0x9  }
0x88: {  	_ =	swait.ge @!p0 [sflag:s0], s1  }
0x89: {  	s1 =	ssub.s32 @!p0 $0x0, s1;
	[sflag:s0] =	ssyncset.done @!p0 $0x0  }
0x8a: {  	[sflag:s0] =	ssyncadd.s32 @!p0 s1  }
0x8b: {  	[bflag:$0x3] =	sbarrier.arrive $0xFFFF  }
0x8c: {  	_ =	shalt  }

</sc_bundles>
